<compile_context>
chip_gen: v7x
topology: tpu7x:2x2x1
jax: 0.10.2.dev20260603
libtpu: 0.0.44.dev20260713+nightly
codegen_flags: <defaults>
</compile_context>

<pallas_src>
import functools

import jax
import jax.numpy as jnp
from jax import lax
from jax.experimental import pallas as pl
from jax.experimental.pallas import tpu as pltpu
from jax.experimental.pallas import tpu_sc as plsc

L = 16
NC = 2
NS = 16
NW = NC * NS


def _sc_partials(features, labels, centers):
    B, D = features.shape
    bw = B // NW
    CH = 8
    NF = 4
    NCSL = 4
    NCH = bw // CH
    KV = D // L
    RR = bw * L // 128

    mesh = plsc.VectorSubcoreMesh(core_axis_name="c", subcore_axis_name="s")

    @functools.partial(
        pl.kernel,
        mesh=mesh,
        compiler_params=pltpu.CompilerParams(use_tc_tiling_on_sc=True),
        out_type=[jax.ShapeDtypeStruct((B * L // 128, 128), jnp.float32)
                  for _ in range(3)],
        scratch_types=(
            [pltpu.VMEM((bw,), jnp.int32)]
            + [pltpu.VMEM((CH, D), jnp.float32)
               for _ in range(NF)]
            + [pltpu.VMEM((CH, D), jnp.float32)
               for _ in range(NCSL)]
            + [pltpu.VMEM((RR, 128), jnp.float32)
               for _ in range(3)]
            + [pltpu.SemaphoreType.DMA for _ in range(NF)]
            + [pltpu.SemaphoreType.DMA for _ in range(NCSL)]
        ),
    )
    def sc_k(f_hbm, l_hbm, c_hbm, ff_hbm, fc_hbm, cc_hbm, idx_v, *rest):
        fbufs = rest[:NF]
        cbufs = rest[NF:NF + NCSL]
        ffr, fcr, ccr = rest[NF + NCSL:NF + NCSL + 3]
        fsems = rest[NF + NCSL + 3:NF + NCSL + 3 + NF]
        csems = rest[NF + NCSL + 3 + NF:]
        wid = lax.axis_index("s") * NC + lax.axis_index("c")
        base = wid * bw
        pltpu.sync_copy(l_hbm.at[pl.ds(base, bw)], idx_v)

        def fcopy(ch, s):
            return pltpu.make_async_copy(
                f_hbm.at[pl.ds(base + ch * CH, CH)], fbufs[s], fsems[s])

        def ccopy(ch, s):
            return pltpu.make_async_copy(
                c_hbm.at[idx_v.at[pl.ds(ch * CH, CH)]], cbufs[s], csems[s])

        def compute(ch, fb, cb):
            def row_body(r, _2):
                def inner(k, carry):
                    a, b, c = carry
                    off = pl.multiple_of(k * L, L)
                    fv = fb[r, pl.ds(off, L)]
                    cv = cb[r, pl.ds(off, L)]
                    return (a + fv * fv, b + fv * cv, c + cv * cv)

                z = jnp.zeros((L,), jnp.float32)
                a, b, c = lax.fori_loop(0, KV, inner, (z, z, z), unroll=8)
                flat = (ch * CH + r) * L
                rrow = flat // 128
                roff = pl.multiple_of(flat % 128, L)
                ffr[rrow, pl.ds(roff, L)] = a
                fcr[rrow, pl.ds(roff, L)] = b
                ccr[rrow, pl.ds(roff, L)] = c
                return 0

            lax.fori_loop(0, CH, row_body, 0)

        GRP = 4
        NG = NCH // GRP
        for s in range(NF):
            fcopy(s, s).start()
        for s in range(NCSL):
            ccopy(s, s).start()

        def group_body(g, _):
            c0 = g * GRP
            for s in range(GRP):
                ch = c0 + s
                fs = s % NF
                cs = s % NCSL
                fcopy(ch, fs).wait()
                ccopy(ch, cs).wait()
                compute(ch, fbufs[fs], cbufs[cs])

                @pl.when(ch + NF < NCH)
                def _(ch=ch, fs=fs):
                    fcopy(ch + NF, fs).start()

                @pl.when(ch + NCSL < NCH)
                def _(ch=ch, cs=cs):
                    ccopy(ch + NCSL, cs).start()

            return 0

        lax.fori_loop(0, NG, group_body, 0)
        rbase = wid * RR
        pltpu.sync_copy(ffr, ff_hbm.at[pl.ds(rbase, RR)])
        pltpu.sync_copy(fcr, fc_hbm.at[pl.ds(rbase, RR)])
        pltpu.sync_copy(ccr, cc_hbm.at[pl.ds(rbase, RR)])

    return sc_k(features, labels, centers)


def _tc_epilogue(ff, fc, cc, B):
    N = ff.shape[0]
    G = 128 // L
    BLK = 1024
    NBLK = N // BLK

    def body(ff_ref, fc_ref, cc_ref, out_ref, acc_ref):
        i = pl.program_id(0)

        @pl.when(i == 0)
        def _():
            acc_ref[0, 0] = 0.0

        lane = lax.broadcasted_iota(jnp.int32, (128, G), 0)
        grp = lax.broadcasted_iota(jnp.int32, (128, G), 1)
        sel = (lane // L == grp).astype(jnp.float32)
        ffs = jax.lax.dot(ff_ref[...], sel,
                          preferred_element_type=jnp.float32)
        fcs = jax.lax.dot(fc_ref[...], sel,
                          preferred_element_type=jnp.float32)
        ccs = jax.lax.dot(cc_ref[...], sel,
                          preferred_element_type=jnp.float32)
        d = jnp.maximum(jnp.sqrt(ffs), 1e-12)
        li = ffs / (d * d) + ccs - 2.0 * fcs / d
        acc_ref[0, 0] += jnp.sum(li)

        @pl.when(i == NBLK - 1)
        def _():
            out_ref[...] = jnp.full((1, 1), acc_ref[0, 0] / (2.0 * B),
                                    dtype=jnp.float32)

    out = pl.pallas_call(
        body,
        grid=(NBLK,),
        in_specs=[pl.BlockSpec((BLK, 128), lambda i: (i, 0))] * 3,
        out_specs=pl.BlockSpec((1, 1), lambda i: (0, 0)),
        out_shape=jax.ShapeDtypeStruct((1, 1), jnp.float32),
        scratch_shapes=[pltpu.SMEM((1, 1), jnp.float32)],
    )(ff, fc, cc)
    return out[0, 0]


def kernel(features, labels, centers):
    B = features.shape[0]
    labels32 = labels.astype(jnp.int32)
    ff, fc, cc = _sc_partials(features, labels32, centers)
    return _tc_epilogue(ff, fc, cc, B)

# --- scband reference (transcript-rebuilt; emitter-appended) ---
"""Pipeline reference for scband-center-loss-8589934592492 (READ-ONLY COPY).

The authoritative reference and input builder live on the scoring server;
editing this copy changes nothing except your own understanding.
"""

import jax, jax.numpy as jnp
import numpy as np

B = 16384
D = 1024
CLS = 10000

def setup_inputs(seed: int = 0) -> dict:
    key = jax.random.key(seed)
    k1, k2, k3 = jax.random.split(key, 3)
    features = jax.random.normal(k1, (B, D), dtype=jnp.float32)
    labels = jax.random.randint(k2, (B,), 0, CLS, dtype=jnp.int64)
    centers = jax.random.normal(k3, (CLS, D), dtype=jnp.float32)
    return {"features": features, "labels": labels, "centers": centers}

def _l2_normalize(x, eps=1e-12):
    # matches torch.nn.functional.normalize(p=2, dim=1)
    norm = jnp.sqrt(jnp.sum(x * x, axis=1, keepdims=True))
    return x / jnp.maximum(norm, eps)

def reference(features, labels, centers):
    f = _l2_normalize(features)
    centers_batch = jnp.take(centers, labels, axis=0)
    diff = f - centers_batch
    loss = jnp.sum(diff * diff) / 2.0 / features.shape[0]
    return loss

if __name__ == "__main__":
    import jax
    _d = setup_inputs()
    print(jax.jit(kernel)(*tuple(_d.values())))

</pallas_src>

<mosaic_0001>
#map = affine_map<(d0, d1) -> (0, 0)>
#map1 = affine_map<(d0, d1) -> (0)>
module attributes {stable_mosaic.version = 14 : i64} {
  func.func @sc_k(%arg0: i32, %arg1: i32, %arg2: memref<16384x1024xf32, #tpu.memory_space<hbm>>, %arg3: memref<16384xi32, #tpu.memory_space<hbm>>, %arg4: memref<10000x1024xf32, #tpu.memory_space<hbm>>, %arg5: memref<2048x128xf32, #tpu.memory_space<hbm>>, %arg6: memref<2048x128xf32, #tpu.memory_space<hbm>>, %arg7: memref<2048x128xf32, #tpu.memory_space<hbm>>, %arg8: memref<512xi32, #tpu.memory_space<vmem>>, %arg9: memref<8x1024xf32, #tpu.memory_space<vmem>>, %arg10: memref<8x1024xf32, #tpu.memory_space<vmem>>, %arg11: memref<8x1024xf32, #tpu.memory_space<vmem>>, %arg12: memref<8x1024xf32, #tpu.memory_space<vmem>>, %arg13: memref<8x1024xf32, #tpu.memory_space<vmem>>, %arg14: memref<8x1024xf32, #tpu.memory_space<vmem>>, %arg15: memref<8x1024xf32, #tpu.memory_space<vmem>>, %arg16: memref<8x1024xf32, #tpu.memory_space<vmem>>, %arg17: memref<64x128xf32, #tpu.memory_space<vmem>>, %arg18: memref<64x128xf32, #tpu.memory_space<vmem>>, %arg19: memref<64x128xf32, #tpu.memory_space<vmem>>, %arg20: memref<!tpu.dma_semaphore, #tpu.memory_space<semaphore_mem>>, %arg21: memref<!tpu.dma_semaphore, #tpu.memory_space<semaphore_mem>>, %arg22: memref<!tpu.dma_semaphore, #tpu.memory_space<semaphore_mem>>, %arg23: memref<!tpu.dma_semaphore, #tpu.memory_space<semaphore_mem>>, %arg24: memref<!tpu.dma_semaphore, #tpu.memory_space<semaphore_mem>>, %arg25: memref<!tpu.dma_semaphore, #tpu.memory_space<semaphore_mem>>, %arg26: memref<!tpu.dma_semaphore, #tpu.memory_space<semaphore_mem>>, %arg27: memref<!tpu.dma_semaphore, #tpu.memory_space<semaphore_mem>>) attributes {dimension_semantics = [#tpu.dimension_semantics<core_parallel>, #tpu.dimension_semantics<subcore_parallel>], iteration_bounds = array<i64: 2, 16>, scalar_prefetch = 0 : i64, scratch_operands = 20 : i64, tpu.core_type = #tpu.core_type<sc_vector_subcore>, window_params = [{transform_indices = #map}, {transform_indices = #map1}, {transform_indices = #map}, {transform_indices = #map}, {transform_indices = #map}, {transform_indices = #map}]} {
    %mul3A = arith.constant 2 : i32
    %mul3A_0 = arith.muli %arg1, %mul3A : i32
    %add3A = arith.addi %mul3A_0, %arg0 : i32
    %mul3A_1 = arith.constant 512 : i32
    %mul3A_2 = arith.muli %add3A, %mul3A_1 : i32
    "tpu.region"() ({
      %run_scoped3A = tpu.sem_alloc : memref<!tpu.dma_semaphore, #tpu.memory_space<semaphore_mem>>
      %dma_start3A_54 = tpu.memref_slice %arg3[%mul3A_2] : memref<16384xi32, #tpu.memory_space<hbm>> -> memref<512xi32, #tpu.memory_space<hbm>>
      %dma_start3A_55 = tpu.memref_slice %arg3[%mul3A_2] : memref<16384xi32, #tpu.memory_space<hbm>> -> memref<512xi32, #tpu.memory_space<hbm>>
      tpu.enqueue_dma source(%dma_start3A_55 : memref<512xi32, #tpu.memory_space<hbm>>) target(%arg8 : memref<512xi32, #tpu.memory_space<vmem>>) target_semaphore(%run_scoped3A : memref<!tpu.dma_semaphore, #tpu.memory_space<semaphore_mem>>)
      %dma_wait3A = tpu.memref_slice %arg3[%mul3A_2] : memref<16384xi32, #tpu.memory_space<hbm>> -> memref<512xi32, #tpu.memory_space<hbm>>
      %dma_wait3A_56 = tpu.memref_slice %arg3[%mul3A_2] : memref<16384xi32, #tpu.memory_space<hbm>> -> memref<512xi32, #tpu.memory_space<hbm>>
      tpu.wait_dma2 semaphore(%run_scoped3A : memref<!tpu.dma_semaphore, #tpu.memory_space<semaphore_mem>>) src(%dma_wait3A_56 : memref<512xi32, #tpu.memory_space<hbm>>) dst(%arg8 : memref<512xi32, #tpu.memory_space<vmem>>)
      tpu.yield
    }) : () -> ()
    %add3A_3 = arith.constant 0 : i32
    %add3A_4 = arith.addi %mul3A_2, %add3A_3 : i32
    %dma_start3A = arith.constant 0 : i32
    %dma_start3A_5 = tpu.memref_slice %arg2[%add3A_4, %dma_start3A] : memref<16384x1024xf32, #tpu.memory_space<hbm>> -> memref<8x1024xf32, #tpu.memory_space<hbm>>
    %dma_start3A_6 = arith.constant 0 : i32
    %dma_start3A_7 = tpu.memref_slice %arg2[%add3A_4, %dma_start3A_6] : memref<16384x1024xf32, #tpu.memory_space<hbm>> -> memref<8x1024xf32, #tpu.memory_space<hbm>>
    tpu.enqueue_dma source(%dma_start3A_7 : memref<8x1024xf32, #tpu.memory_space<hbm>>) target(%arg9 : memref<8x1024xf32, #tpu.memory_space<vmem>>) target_semaphore(%arg20 : memref<!tpu.dma_semaphore, #tpu.memory_space<semaphore_mem>>)
    %add3A_8 = arith.constant 8 : i32
    %add3A_9 = arith.addi %mul3A_2, %add3A_8 : i32
    %dma_start3A_10 = arith.constant 0 : i32
    %dma_start3A_11 = tpu.memref_slice %arg2[%add3A_9, %dma_start3A_10] : memref<16384x1024xf32, #tpu.memory_space<hbm>> -> memref<8x1024xf32, #tpu.memory_space<hbm>>
    %dma_start3A_12 = arith.constant 0 : i32
    %dma_start3A_13 = tpu.memref_slice %arg2[%add3A_9, %dma_start3A_12] : memref<16384x1024xf32, #tpu.memory_space<hbm>> -> memref<8x1024xf32, #tpu.memory_space<hbm>>
    tpu.enqueue_dma source(%dma_start3A_13 : memref<8x1024xf32, #tpu.memory_space<hbm>>) target(%arg10 : memref<8x1024xf32, #tpu.memory_space<vmem>>) target_semaphore(%arg21 : memref<!tpu.dma_semaphore, #tpu.memory_space<semaphore_mem>>)
    %add3A_14 = arith.constant 16 : i32
    %add3A_15 = arith.addi %mul3A_2, %add3A_14 : i32
    %dma_start3A_16 = arith.constant 0 : i32
    %dma_start3A_17 = tpu.memref_slice %arg2[%add3A_15, %dma_start3A_16] : memref<16384x1024xf32, #tpu.memory_space<hbm>> -> memref<8x1024xf32, #tpu.memory_space<hbm>>
    %dma_start3A_18 = arith.constant 0 : i32
    %dma_start3A_19 = tpu.memref_slice %arg2[%add3A_15, %dma_start3A_18] : memref<16384x1024xf32, #tpu.memory_space<hbm>> -> memref<8x1024xf32, #tpu.memory_space<hbm>>
    tpu.enqueue_dma source(%dma_start3A_19 : memref<8x1024xf32, #tpu.memory_space<hbm>>) target(%arg11 : memref<8x1024xf32, #tpu.memory_space<vmem>>) target_semaphore(%arg22 : memref<!tpu.dma_semaphore, #tpu.memory_space<semaphore_mem>>)
    %add3A_20 = arith.constant 24 : i32
    %add3A_21 = arith.addi %mul3A_2, %add3A_20 : i32
    %dma_start3A_22 = arith.constant 0 : i32
    %dma_start3A_23 = tpu.memref_slice %arg2[%add3A_21, %dma_start3A_22] : memref<16384x1024xf32, #tpu.memory_space<hbm>> -> memref<8x1024xf32, #tpu.memory_space<hbm>>
    %dma_start3A_24 = arith.constant 0 : i32
    %dma_start3A_25 = tpu.memref_slice %arg2[%add3A_21, %dma_start3A_24] : memref<16384x1024xf32, #tpu.memory_space<hbm>> -> memref<8x1024xf32, #tpu.memory_space<hbm>>
    tpu.enqueue_dma source(%dma_start3A_25 : memref<8x1024xf32, #tpu.memory_space<hbm>>) target(%arg12 : memref<8x1024xf32, #tpu.memory_space<vmem>>) target_semaphore(%arg23 : memref<!tpu.dma_semaphore, #tpu.memory_space<semaphore_mem>>)
    %dma_start3A_26 = arith.constant 0 : i32
    %dma_start3A_27 = tpu.memref_slice %arg8[%dma_start3A_26] : memref<512xi32, #tpu.memory_space<vmem>> -> memref<8xi32, #tpu.memory_space<vmem>>
    %dma_start3A_28 = arith.constant 0 : i32
    %dma_start3A_29 = arith.constant 0 : i32
    %dma_start3A_30 = tpu.memref_slice %arg4[%dma_start3A_28, %dma_start3A_29] : memref<10000x1024xf32, #tpu.memory_space<hbm>> -> memref<10000x1024xf32, #tpu.memory_space<hbm>>
    tpu.enqueue_indirect_dma source(%dma_start3A_30 : memref<10000x1024xf32, #tpu.memory_space<hbm>>) target(%arg13 : memref<8x1024xf32, #tpu.memory_space<vmem>>) offsets(%dma_start3A_27 : memref<8xi32, #tpu.memory_space<vmem>>) semaphore(%arg24 : memref<!tpu.dma_semaphore, #tpu.memory_space<semaphore_mem>>)
    %dma_start3A_31 = arith.constant 8 : i32
    %dma_start3A_32 = tpu.memref_slice %arg8[%dma_start3A_31] : memref<512xi32, #tpu.memory_space<vmem>> -> memref<8xi32, #tpu.memory_space<vmem>>
    %dma_start3A_33 = arith.constant 0 : i32
    %dma_start3A_34 = arith.constant 0 : i32
    %dma_start3A_35 = tpu.memref_slice %arg4[%dma_start3A_33, %dma_start3A_34] : memref<10000x1024xf32, #tpu.memory_space<hbm>> -> memref<10000x1024xf32, #tpu.memory_space<hbm>>
    tpu.enqueue_indirect_dma source(%dma_start3A_35 : memref<10000x1024xf32, #tpu.memory_space<hbm>>) target(%arg14 : memref<8x1024xf32, #tpu.memory_space<vmem>>) offsets(%dma_start3A_32 : memref<8xi32, #tpu.memory_space<vmem>>) semaphore(%arg25 : memref<!tpu.dma_semaphore, #tpu.memory_space<semaphore_mem>>)
    %dma_start3A_36 = arith.constant 16 : i32
    %dma_start3A_37 = tpu.memref_slice %arg8[%dma_start3A_36] : memref<512xi32, #tpu.memory_space<vmem>> -> memref<8xi32, #tpu.memory_space<vmem>>
    %dma_start3A_38 = arith.constant 0 : i32
    %dma_start3A_39 = arith.constant 0 : i32
    %dma_start3A_40 = tpu.memref_slice %arg4[%dma_start3A_38, %dma_start3A_39] : memref<10000x1024xf32, #tpu.memory_space<hbm>> -> memref<10000x1024xf32, #tpu.memory_space<hbm>>
    tpu.enqueue_indirect_dma source(%dma_start3A_40 : memref<10000x1024xf32, #tpu.memory_space<hbm>>) target(%arg15 : memref<8x1024xf32, #tpu.memory_space<vmem>>) offsets(%dma_start3A_37 : memref<8xi32, #tpu.memory_space<vmem>>) semaphore(%arg26 : memref<!tpu.dma_semaphore, #tpu.memory_space<semaphore_mem>>)
    %dma_start3A_41 = arith.constant 24 : i32
    %dma_start3A_42 = tpu.memref_slice %arg8[%dma_start3A_41] : memref<512xi32, #tpu.memory_space<vmem>> -> memref<8xi32, #tpu.memory_space<vmem>>
    %dma_start3A_43 = arith.constant 0 : i32
    %dma_start3A_44 = arith.constant 0 : i32
    %dma_start3A_45 = tpu.memref_slice %arg4[%dma_start3A_43, %dma_start3A_44] : memref<10000x1024xf32, #tpu.memory_space<hbm>> -> memref<10000x1024xf32, #tpu.memory_space<hbm>>
    tpu.enqueue_indirect_dma source(%dma_start3A_45 : memref<10000x1024xf32, #tpu.memory_space<hbm>>) target(%arg16 : memref<8x1024xf32, #tpu.memory_space<vmem>>) offsets(%dma_start3A_42 : memref<8xi32, #tpu.memory_space<vmem>>) semaphore(%arg27 : memref<!tpu.dma_semaphore, #tpu.memory_space<semaphore_mem>>)
    %scan3A = arith.constant 0 : i32
    %scan3A_46 = arith.constant 0 : i32
    %scan3A_47 = arith.constant 16 : i32
    %scan3A_48 = arith.addi %scan3A_46, %scan3A_47 : i32
    %scan3A_49 = arith.constant 1 : i32
    %scan3A_50 = scf.for %scan3A_54 = %scan3A_46 to %scan3A_48 step %scan3A_49 iter_args(%scan3A_55 = %scan3A) -> (i32)  : i32 {
      %mul3A_56 = arith.constant 4 : i32
      %mul3A_57 = arith.muli %scan3A_54, %mul3A_56 : i32
      %add3A_58 = arith.constant 0 : i32
      %add3A_59 = arith.addi %mul3A_57, %add3A_58 : i32
      %mul3A_60 = arith.constant 8 : i32
      %mul3A_61 = arith.muli %add3A_59, %mul3A_60 : i32
      %add3A_62 = arith.addi %mul3A_2, %mul3A_61 : i32
      %dma_wait3A = arith.constant 0 : i32
      %dma_wait3A_63 = tpu.memref_slice %arg2[%add3A_62, %dma_wait3A] : memref<16384x1024xf32, #tpu.memory_space<hbm>> -> memref<8x1024xf32, #tpu.memory_space<hbm>>
      %dma_wait3A_64 = arith.constant 0 : i32
      %dma_wait3A_65 = tpu.memref_slice %arg2[%add3A_62, %dma_wait3A_64] : memref<16384x1024xf32, #tpu.memory_space<hbm>> -> memref<8x1024xf32, #tpu.memory_space<hbm>>
      tpu.wait_dma2 semaphore(%arg20 : memref<!tpu.dma_semaphore, #tpu.memory_space<semaphore_mem>>) src(%dma_wait3A_65 : memref<8x1024xf32, #tpu.memory_space<hbm>>) dst(%arg9 : memref<8x1024xf32, #tpu.memory_space<vmem>>)
      %mul3A_66 = arith.constant 8 : i32
      %mul3A_67 = arith.muli %add3A_59, %mul3A_66 : i32
      %dma_wait3A_68 = tpu.memref_slice %arg8[%mul3A_67] : memref<512xi32, #tpu.memory_space<vmem>> -> memref<8xi32, #tpu.memory_space<vmem>>
      %dma_wait3A_69 = arith.constant 0 : i32
      %dma_wait3A_70 = arith.constant 0 : i32
      %dma_wait3A_71 = tpu.memref_slice %arg4[%dma_wait3A_69, %dma_wait3A_70] : memref<10000x1024xf32, #tpu.memory_space<hbm>> -> memref<10000x1024xf32, #tpu.memory_space<hbm>>
      tpu.wait_indirect_dma semaphore(%arg24 : memref<!tpu.dma_semaphore, #tpu.memory_space<semaphore_mem>>) src(%dma_wait3A_71 : memref<10000x1024xf32, #tpu.memory_space<hbm>>) dst(%arg13 : memref<8x1024xf32, #tpu.memory_space<vmem>>)
      %scan3A_72 = arith.constant 0 : i32
      %scan3A_73 = arith.constant 0 : i32
      %scan3A_74 = arith.constant 8 : i32
      %scan3A_75 = arith.addi %scan3A_73, %scan3A_74 : i32
      %scan3A_76 = arith.constant 1 : i32
      %scan3A_77 = scf.for %scan3A_199 = %scan3A_73 to %scan3A_75 step %scan3A_76 iter_args(%scan3A_200 = %scan3A_72) -> (i32)  : i32 {
        %broadcast_in_dim3A = arith.constant 0.000000e+00 : f32
        %broadcast_in_dim3A_201 = vector.broadcast %broadcast_in_dim3A : f32 to vector<16xf32>
        %scan3A_202 = arith.constant 0 : i32
        %scan3A_203 = arith.constant 64 : i32
        %scan3A_204 = arith.addi %scan3A_202, %scan3A_203 : i32
        %scan3A_205 = arith.constant 8 : i32
        %scan3A_206:3 = scf.for %scan3A_259 = %scan3A_202 to %scan3A_204 step %scan3A_205 iter_args(%scan3A_260 = %broadcast_in_dim3A_201, %scan3A_261 = %broadcast_in_dim3A_201, %scan3A_262 = %broadcast_in_dim3A_201) -> (vector<16xf32>, vector<16xf32>, vector<16xf32>)  : i32 {
          %mul3A_263 = arith.constant 16 : i32
          %mul3A_264 = arith.muli %scan3A_259, %mul3A_263 : i32
          %multiple_of3A_265 = tpu.assume_multiple %mul3A_264, 16 : i32
          %get3A = arith.index_cast %scan3A_199 : i32 to index
          %get3A_266 = arith.index_cast %multiple_of3A_265 : i32 to index
          %get3A_267 = tpu.vector_load %arg9[%get3A, %get3A_266] {strides = array<i32>} : memref<8x1024xf32, #tpu.memory_space<vmem>>, vector<1x16xf32>,
          %get3A_268 = vector.shape_cast %get3A_267 : vector<1x16xf32> to vector<16xf32>
          %get3A_269 = arith.index_cast %scan3A_199 : i32 to index
          %get3A_270 = arith.index_cast %multiple_of3A_265 : i32 to index
          %get3A_271 = tpu.vector_load %arg13[%get3A_269, %get3A_270] {strides = array<i32>} : memref<8x1024xf32, #tpu.memory_space<vmem>>, vector<1x16xf32>,
          %get3A_272 = vector.shape_cast %get3A_271 : vector<1x16xf32> to vector<16xf32>
          %mul3A_273 = arith.mulf %get3A_268, %get3A_268 : vector<16xf32>
          %add3A_274 = arith.addf %scan3A_260, %mul3A_273 : vector<16xf32>
          %mul3A_275 = arith.mulf %get3A_268, %get3A_272 : vector<16xf32>
          %add3A_276 = arith.addf %scan3A_261, %mul3A_275 : vector<16xf32>
          %mul3A_277 = arith.mulf %get3A_272, %get3A_272 : vector<16xf32>
          %add3A_278 = arith.addf %scan3A_262, %mul3A_277 : vector<16xf32>
          %scan3A_279 = arith.constant 1 : i32
          %scan3A_280 = arith.addi %scan3A_259, %scan3A_279 : i32
          %mul3A_281 = arith.constant 16 : i32
          %mul3A_282 = arith.muli %scan3A_280, %mul3A_281 : i32
          %multiple_of3A_283 = tpu.assume_multiple %mul3A_282, 16 : i32
          %get3A_284 = arith.index_cast %scan3A_199 : i32 to index
          %get3A_285 = arith.index_cast %multiple_of3A_283 : i32 to index
          %get3A_286 = tpu.vector_load %arg9[%get3A_284, %get3A_285] {strides = array<i32>} : memref<8x1024xf32, #tpu.memory_space<vmem>>, vector<1x16xf32>,
          %get3A_287 = vector.shape_cast %get3A_286 : vector<1x16xf32> to vector<16xf32>
          %get3A_288 = arith.index_cast %scan3A_199 : i32 to index
          %get3A_289 = arith.index_cast %multiple_of3A_283 : i32 to index
          %get3A_290 = tpu.vector_load %arg13[%get3A_288, %get3A_289] {strides = array<i32>} : memref<8x1024xf32, #tpu.memory_space<vmem>>, vector<1x16xf32>,
          %get3A_291 = vector.shape_cast %get3A_290 : vector<1x16xf32> to vector<16xf32>
          %mul3A_292 = arith.mulf %get3A_287, %get3A_287 : vector<16xf32>
          %add3A_293 = arith.addf %add3A_274, %mul3A_292 : vector<16xf32>
          %mul3A_294 = arith.mulf %get3A_287, %get3A_291 : vector<16xf32>
          %add3A_295 = arith.addf %add3A_276, %mul3A_294 : vector<16xf32>
          %mul3A_296 = arith.mulf %get3A_291, %get3A_291 : vector<16xf32>
          %add3A_297 = arith.addf %add3A_278, %mul3A_296 : vector<16xf32>
          %scan3A_298 = arith.constant 2 : i32
          %scan3A_299 = arith.addi %scan3A_259, %scan3A_298 : i32
          %mul3A_300 = arith.constant 16 : i32
          %mul3A_301 = arith.muli %scan3A_299, %mul3A_300 : i32
          %multiple_of3A_302 = tpu.assume_multiple %mul3A_301, 16 : i32
          %get3A_303 = arith.index_cast %scan3A_199 : i32 to index
          %get3A_304 = arith.index_cast %multiple_of3A_302 : i32 to index
          %get3A_305 = tpu.vector_load %arg9[%get3A_303, %get3A_304] {strides = array<i32>} : memref<8x1024xf32, #tpu.memory_space<vmem>>, vector<1x16xf32>,
          %get3A_306 = vector.shape_cast %get3A_305 : vector<1x16xf32> to vector<16xf32>
          %get3A_307 = arith.index_cast %scan3A_199 : i32 to index
          %get3A_308 = arith.index_cast %multiple_of3A_302 : i32 to index
          %get3A_309 = tpu.vector_load %arg13[%get3A_307, %get3A_308] {strides = array<i32>} : memref<8x1024xf32, #tpu.memory_space<vmem>>, vector<1x16xf32>,
          %get3A_310 = vector.shape_cast %get3A_309 : vector<1x16xf32> to vector<16xf32>
          %mul3A_311 = arith.mulf %get3A_306, %get3A_306 : vector<16xf32>
          %add3A_312 = arith.addf %add3A_293, %mul3A_311 : vector<16xf32>
          %mul3A_313 = arith.mulf %get3A_306, %get3A_310 : vector<16xf32>
          %add3A_314 = arith.addf %add3A_295, %mul3A_313 : vector<16xf32>
          %mul3A_315 = arith.mulf %get3A_310, %get3A_310 : vector<16xf32>
          %add3A_316 = arith.addf %add3A_297, %mul3A_315 : vector<16xf32>
          %scan3A_317 = arith.constant 3 : i32
          %scan3A_318 = arith.addi %scan3A_259, %scan3A_317 : i32
          %mul3A_319 = arith.constant 16 : i32
          %mul3A_320 = arith.muli %scan3A_318, %mul3A_319 : i32
          %multiple_of3A_321 = tpu.assume_multiple %mul3A_320, 16 : i32
          %get3A_322 = arith.index_cast %scan3A_199 : i32 to index
          %get3A_323 = arith.index_cast %multiple_of3A_321 : i32 to index
          %get3A_324 = tpu.vector_load %arg9[%get3A_322, %get3A_323] {strides = array<i32>} : memref<8x1024xf32, #tpu.memory_space<vmem>>, vector<1x16xf32>,
          %get3A_325 = vector.shape_cast %get3A_324 : vector<1x16xf32> to vector<16xf32>
          %get3A_326 = arith.index_cast %scan3A_199 : i32 to index
          %get3A_327 = arith.index_cast %multiple_of3A_321 : i32 to index
          %get3A_328 = tpu.vector_load %arg13[%get3A_326, %get3A_327] {strides = array<i32>} : memref<8x1024xf32, #tpu.memory_space<vmem>>, vector<1x16xf32>,
          %get3A_329 = vector.shape_cast %get3A_328 : vector<1x16xf32> to vector<16xf32>
          %mul3A_330 = arith.mulf %get3A_325, %get3A_325 : vector<16xf32>
          %add3A_331 = arith.addf %add3A_312, %mul3A_330 : vector<16xf32>
          %mul3A_332 = arith.mulf %get3A_325, %get3A_329 : vector<16xf32>
          %add3A_333 = arith.addf %add3A_314, %mul3A_332 : vector<16xf32>
          %mul3A_334 = arith.mulf %get3A_329, %get3A_329 : vector<16xf32>
          %add3A_335 = arith.addf %add3A_316, %mul3A_334 : vector<16xf32>
          %scan3A_336 = arith.constant 4 : i32
          %scan3A_337 = arith.addi %scan3A_259, %scan3A_336 : i32
          %mul3A_338 = arith.constant 16 : i32
          %mul3A_339 = arith.muli %scan3A_337, %mul3A_338 : i32
          %multiple_of3A_340 = tpu.assume_multiple %mul3A_339, 16 : i32
          %get3A_341 = arith.index_cast %scan3A_199 : i32 to index
          %get3A_342 = arith.index_cast %multiple_of3A_340 : i32 to index
          %get3A_343 = tpu.vector_load %arg9[%get3A_341, %get3A_342] {strides = array<i32>} : memref<8x1024xf32, #tpu.memory_space<vmem>>, vector<1x16xf32>,
          %get3A_344 = vector.shape_cast %get3A_343 : vector<1x16xf32> to vector<16xf32>
          %get3A_345 = arith.index_cast %scan3A_199 : i32 to index
          %get3A_346 = arith.index_cast %multiple_of3A_340 : i32 to index
          %get3A_347 = tpu.vector_load %arg13[%get3A_345, %get3A_346] {strides = array<i32>} : memref<8x1024xf32, #tpu.memory_space<vmem>>, vector<1x16xf32>,
          %get3A_348 = vector.shape_cast %get3A_347 : vector<1x16xf32> to vector<16xf32>
          %mul3A_349 = arith.mulf %get3A_344, %get3A_344 : vector<16xf32>
          %add3A_350 = arith.addf %add3A_331, %mul3A_349 : vector<16xf32>
          %mul3A_351 = arith.mulf %get3A_344, %get3A_348 : vector<16xf32>
          %add3A_352 = arith.addf %add3A_333, %mul3A_351 : vector<16xf32>
          %mul3A_353 = arith.mulf %get3A_348, %get3A_348 : vector<16xf32>
          %add3A_354 = arith.addf %add3A_335, %mul3A_353 : vector<16xf32>
          %scan3A_355 = arith.constant 5 : i32
          %scan3A_356 = arith.addi %scan3A_259, %scan3A_355 : i32
          %mul3A_357 = arith.constant 16 : i32
          %mul3A_358 = arith.muli %scan3A_356, %mul3A_357 : i32
          %multiple_of3A_359 = tpu.assume_multiple %mul3A_358, 16 : i32
          %get3A_360 = arith.index_cast %scan3A_199 : i32 to index
          %get3A_361 = arith.index_cast %multiple_of3A_359 : i32 to index
          %get3A_362 = tpu.vector_load %arg9[%get3A_360, %get3A_361] {strides = array<i32>} : memref<8x1024xf32, #tpu.memory_space<vmem>>, vector<1x16xf32>,
          %get3A_363 = vector.shape_cast %get3A_362 : vector<1x16xf32> to vector<16xf32>
          %get3A_364 = arith.index_cast %scan3A_199 : i32 to index
          %get3A_365 = arith.index_cast %multiple_of3A_359 : i32 to index
          %get3A_366 = tpu.vector_load %arg13[%get3A_364, %get3A_365] {strides = array<i32>} : memref<8x1024xf32, #tpu.memory_space<vmem>>, vector<1x16xf32>,
          %get3A_367 = vector.shape_cast %get3A_366 : vector<1x16xf32> to vector<16xf32>
          %mul3A_368 = arith.mulf %get3A_363, %get3A_363 : vector<16xf32>
          %add3A_369 = arith.addf %add3A_350, %mul3A_368 : vector<16xf32>
          %mul3A_370 = arith.mulf %get3A_363, %get3A_367 : vector<16xf32>
          %add3A_371 = arith.addf %add3A_352, %mul3A_370 : vector<16xf32>
          %mul3A_372 = arith.mulf %get3A_367, %get3A_367 : vector<16xf32>
          %add3A_373 = arith.addf %add3A_354, %mul3A_372 : vector<16xf32>
          %scan3A_374 = arith.constant 6 : i32
          %scan3A_375 = arith.addi %scan3A_259, %scan3A_374 : i32
          %mul3A_376 = arith.constant 16 : i32
          %mul3A_377 = arith.muli %scan3A_375, %mul3A_376 : i32
          %multiple_of3A_378 = tpu.assume_multiple %mul3A_377, 16 : i32
          %get3A_379 = arith.index_cast %scan3A_199 : i32 to index
          %get3A_380 = arith.index_cast %multiple_of3A_378 : i32 to index
          %get3A_381 = tpu.vector_load %arg9[%get3A_379, %get3A_380] {strides = array<i32>} : memref<8x1024xf32, #tpu.memory_space<vmem>>, vector<1x16xf32>,
          %get3A_382 = vector.shape_cast %get3A_381 : vector<1x16xf32> to vector<16xf32>
          %get3A_383 = arith.index_cast %scan3A_199 : i32 to index
          %get3A_384 = arith.index_cast %multiple_of3A_378 : i32 to index
          %get3A_385 = tpu.vector_load %arg13[%get3A_383, %get3A_384] {strides = array<i32>} : memref<8x1024xf32, #tpu.memory_space<vmem>>, vector<1x16xf32>,
          %get3A_386 = vector.shape_cast %get3A_385 : vector<1x16xf32> to vector<16xf32>
          %mul3A_387 = arith.mulf %get3A_382, %get3A_382 : vector<16xf32>
          %add3A_388 = arith.addf %add3A_369, %mul3A_387 : vector<16xf32>
          %mul3A_389 = arith.mulf %get3A_382, %get3A_386 : vector<16xf32>
          %add3A_390 = arith.addf %add3A_371, %mul3A_389 : vector<16xf32>
          %mul3A_391 = arith.mulf %get3A_386, %get3A_386 : vector<16xf32>
          %add3A_392 = arith.addf %add3A_373, %mul3A_391 : vector<16xf32>
          %scan3A_393 = arith.constant 7 : i32
          %scan3A_394 = arith.addi %scan3A_259, %scan3A_393 : i32
          %mul3A_395 = arith.constant 16 : i32
          %mul3A_396 = arith.muli %scan3A_394, %mul3A_395 : i32
          %multiple_of3A_397 = tpu.assume_multiple %mul3A_396, 16 : i32
          %get3A_398 = arith.index_cast %scan3A_199 : i32 to index
          %get3A_399 = arith.index_cast %multiple_of3A_397 : i32 to index
          %get3A_400 = tpu.vector_load %arg9[%get3A_398, %get3A_399] {strides = array<i32>} : memref<8x1024xf32, #tpu.memory_space<vmem>>, vector<1x16xf32>,
          %get3A_401 = vector.shape_cast %get3A_400 : vector<1x16xf32> to vector<16xf32>
          %get3A_402 = arith.index_cast %scan3A_199 : i32 to index
          %get3A_403 = arith.index_cast %multiple_of3A_397 : i32 to index
          %get3A_404 = tpu.vector_load %arg13[%get3A_402, %get3A_403] {strides = array<i32>} : memref<8x1024xf32, #tpu.memory_space<vmem>>, vector<1x16xf32>,
          %get3A_405 = vector.shape_cast %get3A_404 : vector<1x16xf32> to vector<16xf32>
          %mul3A_406 = arith.mulf %get3A_401, %get3A_401 : vector<16xf32>
          %add3A_407 = arith.addf %add3A_388, %mul3A_406 : vector<16xf32>
          %mul3A_408 = arith.mulf %get3A_401, %get3A_405 : vector<16xf32>
          %add3A_409 = arith.addf %add3A_390, %mul3A_408 : vector<16xf32>
          %mul3A_410 = arith.mulf %get3A_405, %get3A_405 : vector<16xf32>
          %add3A_411 = arith.addf %add3A_392, %mul3A_410 : vector<16xf32>
          scf.yield %add3A_407, %add3A_409, %add3A_411 : vector<16xf32>, vector<16xf32>, vector<16xf32>
        }
        %scan3A_207 = arith.constant 64 : i32
        %mul3A_208 = arith.constant 8 : i32
        %mul3A_209 = arith.muli %add3A_59, %mul3A_208 : i32
        %add3A_210 = arith.addi %mul3A_209, %scan3A_199 : i32
        %mul3A_211 = arith.constant 16 : i32
        %mul3A_212 = arith.muli %add3A_210, %mul3A_211 : i32
        %jit3A = arith.constant 128 : i32
        %div3A = arith.divsi %mul3A_212, %jit3A : i32
        %sign3A = arith.constant 0 : i32
        %sign3A_213 = arith.cmpi sgt, %mul3A_212, %sign3A : i32
        %sign3A_214 = arith.extui %sign3A_213 : i1 to i32
        %sign3A_215 = arith.constant 0 : i32
        %sign3A_216 = arith.cmpi slt, %mul3A_212, %sign3A_215 : i32
        %sign3A_217 = arith.extui %sign3A_216 : i1 to i32
        %sign3A_218 = arith.subi %sign3A_214, %sign3A_217 : i32
        %sign3A_219 = arith.constant 0 : i32
        %sign3A_220 = arith.cmpi sgt, %jit3A, %sign3A_219 : i32
        %sign3A_221 = arith.extui %sign3A_220 : i1 to i32
        %sign3A_222 = arith.constant 0 : i32
        %sign3A_223 = arith.cmpi slt, %jit3A, %sign3A_222 : i32
        %sign3A_224 = arith.extui %sign3A_223 : i1 to i32
        %sign3A_225 = arith.subi %sign3A_221, %sign3A_224 : i32
        %ne3A = arith.cmpi ne, %sign3A_218, %sign3A_225 : i32
        %rem3A = arith.remsi %mul3A_212, %jit3A : i32
        %ne3A_226 = arith.constant 0 : i32
        %ne3A_227 = arith.cmpi ne, %rem3A, %ne3A_226 : i32
        %and3A = arith.andi %ne3A, %ne3A_227 : i1
        %sub3A = arith.constant 1 : i32
        %sub3A_228 = arith.subi %div3A, %sub3A : i32
        %select_n3A = arith.select %and3A, %sub3A_228, %div3A : i32
        %jit3A_229 = arith.constant 128 : i32
        %eq3A = arith.constant 0 : i32
        %eq3A_230 = arith.cmpi eq, %jit3A_229, %eq3A : i32
        %jit3A_231 = arith.constant 1 : i32
        %select_n3A_232 = arith.select %eq3A_230, %jit3A_231, %jit3A_229 : i32
        %rem3A_233 = arith.remsi %mul3A_212, %select_n3A_232 : i32
        %ne3A_234 = arith.constant 0 : i32
        %ne3A_235 = arith.cmpi ne, %rem3A_233, %ne3A_234 : i32
        %lt3A_236 = arith.constant 0 : i32
        %lt3A_237 = arith.cmpi slt, %rem3A_233, %lt3A_236 : i32
        %lt3A_238 = arith.constant 0 : i32
        %lt3A_239 = arith.cmpi slt, %select_n3A_232, %lt3A_238 : i32
        %ne3A_240 = arith.xori %lt3A_237, %lt3A_239 : i1
        %and3A_241 = arith.andi %ne3A_240, %ne3A_235 : i1
        %add3A_242 = arith.addi %rem3A_233, %select_n3A_232 : i32
        %select_n3A_243 = arith.select %and3A_241, %add3A_242, %rem3A_233 : i32
        %multiple_of3A = tpu.assume_multiple %select_n3A_243, 16 : i32
        %swap3A = arith.index_cast %select_n3A : i32 to index
        %swap3A_244 = arith.index_cast %multiple_of3A : i32 to index
        %swap3A_245 = tpu.vector_load %arg17[%swap3A, %swap3A_244] {strides = array<i32>} : memref<64x128xf32, #tpu.memory_space<vmem>>, vector<1x16xf32>,
        %swap3A_246 = vector.shape_cast %swap3A_245 : vector<1x16xf32> to vector<16xf32>
        %swap3A_247 = vector.shape_cast %scan3A_206#0 : vector<16xf32> to vector<1x16xf32>
        tpu.vector_store %arg17[%swap3A, %swap3A_244], %swap3A_247 {strides = array<i32>} : memref<64x128xf32, #tpu.memory_space<vmem>>, vector<1x16xf32>,
        %swap3A_248 = arith.index_cast %select_n3A : i32 to index
        %swap3A_249 = arith.index_cast %multiple_of3A : i32 to index
        %swap3A_250 = tpu.vector_load %arg18[%swap3A_248, %swap3A_249] {strides = array<i32>} : memref<64x128xf32, #tpu.memory_space<vmem>>, vector<1x16xf32>,
        %swap3A_251 = vector.shape_cast %swap3A_250 : vector<1x16xf32> to vector<16xf32>
        %swap3A_252 = vector.shape_cast %scan3A_206#1 : vector<16xf32> to vector<1x16xf32>
        tpu.vector_store %arg18[%swap3A_248, %swap3A_249], %swap3A_252 {strides = array<i32>} : memref<64x128xf32, #tpu.memory_space<vmem>>, vector<1x16xf32>,
        %swap3A_253 = arith.index_cast %select_n3A : i32 to index
        %swap3A_254 = arith.index_cast %multiple_of3A : i32 to index
        %swap3A_255 = tpu.vector_load %arg19[%swap3A_253, %swap3A_254] {strides = array<i32>} : memref<64x128xf32, #tpu.memory_space<vmem>>, vector<1x16xf32>,
        %swap3A_256 = vector.shape_cast %swap3A_255 : vector<1x16xf32> to vector<16xf32>
        %swap3A_257 = vector.shape_cast %scan3A_206#2 : vector<16xf32> to vector<1x16xf32>
        tpu.vector_store %arg19[%swap3A_253, %swap3A_254], %swap3A_257 {strides = array<i32>} : memref<64x128xf32, #tpu.memory_space<vmem>>, vector<1x16xf32>,
        %scan3A_258 = arith.constant 0 : i32
        scf.yield %scan3A_258 : i32
      }
      %scan3A_78 = arith.constant 8 : i32
      %add3A_79 = arith.constant 4 : i32
      %add3A_80 = arith.addi %add3A_59, %add3A_79 : i32
      %lt3A = arith.constant 64 : i32
      %lt3A_81 = arith.cmpi slt, %add3A_80, %lt3A : i32
      %convert_element_type3A = arith.extui %lt3A_81 : i1 to i32
      %cond3A = arith.constant 0 : i32
      %cond3A_82 = arith.cmpi ne, %convert_element_type3A, %cond3A : i32
      scf.if %cond3A_82 {
        %add3A_199 = arith.constant 4 : i32
        %add3A_200 = arith.addi %add3A_59, %add3A_199 : i32
        %mul3A_201 = arith.constant 8 : i32
        %mul3A_202 = arith.muli %add3A_200, %mul3A_201 : i32
        %add3A_203 = arith.addi %mul3A_2, %mul3A_202 : i32
        %dma_start3A_204 = arith.constant 0 : i32
        %dma_start3A_205 = tpu.memref_slice %arg2[%add3A_203, %dma_start3A_204] : memref<16384x1024xf32, #tpu.memory_space<hbm>> -> memref<8x1024xf32, #tpu.memory_space<hbm>>
        %dma_start3A_206 = arith.constant 0 : i32
        %dma_start3A_207 = tpu.memref_slice %arg2[%add3A_203, %dma_start3A_206] : memref<16384x1024xf32, #tpu.memory_space<hbm>> -> memref<8x1024xf32, #tpu.memory_space<hbm>>
        tpu.enqueue_dma source(%dma_start3A_207 : memref<8x1024xf32, #tpu.memory_space<hbm>>) target(%arg9 : memref<8x1024xf32, #tpu.memory_space<vmem>>) target_semaphore(%arg20 : memref<!tpu.dma_semaphore, #tpu.memory_space<semaphore_mem>>)
      } else {
      }
      %add3A_83 = arith.constant 4 : i32
      %add3A_84 = arith.addi %add3A_59, %add3A_83 : i32
      %lt3A_85 = arith.constant 64 : i32
      %lt3A_86 = arith.cmpi slt, %add3A_84, %lt3A_85 : i32
      %convert_element_type3A_87 = arith.extui %lt3A_86 : i1 to i32
      %cond3A_88 = arith.constant 0 : i32
      %cond3A_89 = arith.cmpi ne, %convert_element_type3A_87, %cond3A_88 : i32
      scf.if %cond3A_89 {
        %add3A_199 = arith.constant 4 : i32
        %add3A_200 = arith.addi %add3A_59, %add3A_199 : i32
        %mul3A_201 = arith.constant 8 : i32
        %mul3A_202 = arith.muli %add3A_200, %mul3A_201 : i32
        %dma_start3A_203 = tpu.memref_slice %arg8[%mul3A_202] : memref<512xi32, #tpu.memory_space<vmem>> -> memref<8xi32, #tpu.memory_space<vmem>>
        %dma_start3A_204 = arith.constant 0 : i32
        %dma_start3A_205 = arith.constant 0 : i32
        %dma_start3A_206 = tpu.memref_slice %arg4[%dma_start3A_204, %dma_start3A_205] : memref<10000x1024xf32, #tpu.memory_space<hbm>> -> memref<10000x1024xf32, #tpu.memory_space<hbm>>
        tpu.enqueue_indirect_dma source(%dma_start3A_206 : memref<10000x1024xf32, #tpu.memory_space<hbm>>) target(%arg13 : memref<8x1024xf32, #tpu.memory_space<vmem>>) offsets(%dma_start3A_203 : memref<8xi32, #tpu.memory_space<vmem>>) semaphore(%arg24 : memref<!tpu.dma_semaphore, #tpu.memory_space<semaphore_mem>>)
      } else {
      }
      %add3A_90 = arith.constant 1 : i32
      %add3A_91 = arith.addi %mul3A_57, %add3A_90 : i32
      %mul3A_92 = arith.constant 8 : i32
      %mul3A_93 = arith.muli %add3A_91, %mul3A_92 : i32
      %add3A_94 = arith.addi %mul3A_2, %mul3A_93 : i32
      %dma_wait3A_95 = arith.constant 0 : i32
      %dma_wait3A_96 = tpu.memref_slice %arg2[%add3A_94, %dma_wait3A_95] : memref<16384x1024xf32, #tpu.memory_space<hbm>> -> memref<8x1024xf32, #tpu.memory_space<hbm>>
      %dma_wait3A_97 = arith.constant 0 : i32
      %dma_wait3A_98 = tpu.memref_slice %arg2[%add3A_94, %dma_wait3A_97] : memref<16384x1024xf32, #tpu.memory_space<hbm>> -> memref<8x1024xf32, #tpu.memory_space<hbm>>
      tpu.wait_dma2 semaphore(%arg21 : memref<!tpu.dma_semaphore, #tpu.memory_space<semaphore_mem>>) src(%dma_wait3A_98 : memref<8x1024xf32, #tpu.memory_space<hbm>>) dst(%arg10 : memref<8x1024xf32, #tpu.memory_space<vmem>>)
      %mul3A_99 = arith.constant 8 : i32
      %mul3A_100 = arith.muli %add3A_91, %mul3A_99 : i32
      %dma_wait3A_101 = tpu.memref_slice %arg8[%mul3A_100] : memref<512xi32, #tpu.memory_space<vmem>> -> memref<8xi32, #tpu.memory_space<vmem>>
      %dma_wait3A_102 = arith.constant 0 : i32
      %dma_wait3A_103 = arith.constant 0 : i32
      %dma_wait3A_104 = tpu.memref_slice %arg4[%dma_wait3A_102, %dma_wait3A_103] : memref<10000x1024xf32, #tpu.memory_space<hbm>> -> memref<10000x1024xf32, #tpu.memory_space<hbm>>
      tpu.wait_indirect_dma semaphore(%arg25 : memref<!tpu.dma_semaphore, #tpu.memory_space<semaphore_mem>>) src(%dma_wait3A_104 : memref<10000x1024xf32, #tpu.memory_space<hbm>>) dst(%arg14 : memref<8x1024xf32, #tpu.memory_space<vmem>>)
      %scan3A_105 = arith.constant 0 : i32
      %scan3A_106 = arith.constant 0 : i32
      %scan3A_107 = arith.constant 8 : i32
      %scan3A_108 = arith.addi %scan3A_106, %scan3A_107 : i32
      %scan3A_109 = arith.constant 1 : i32
      %scan3A_110 = scf.for %scan3A_199 = %scan3A_106 to %scan3A_108 step %scan3A_109 iter_args(%scan3A_200 = %scan3A_105) -> (i32)  : i32 {
        %broadcast_in_dim3A = arith.constant 0.000000e+00 : f32
        %broadcast_in_dim3A_201 = vector.broadcast %broadcast_in_dim3A : f32 to vector<16xf32>
        %scan3A_202 = arith.constant 0 : i32
        %scan3A_203 = arith.constant 64 : i32
        %scan3A_204 = arith.addi %scan3A_202, %scan3A_203 : i32
        %scan3A_205 = arith.constant 8 : i32
        %scan3A_206:3 = scf.for %scan3A_259 = %scan3A_202 to %scan3A_204 step %scan3A_205 iter_args(%scan3A_260 = %broadcast_in_dim3A_201, %scan3A_261 = %broadcast_in_dim3A_201, %scan3A_262 = %broadcast_in_dim3A_201) -> (vector<16xf32>, vector<16xf32>, vector<16xf32>)  : i32 {
          %mul3A_263 = arith.constant 16 : i32
          %mul3A_264 = arith.muli %scan3A_259, %mul3A_263 : i32
          %multiple_of3A_265 = tpu.assume_multiple %mul3A_264, 16 : i32
          %get3A = arith.index_cast %scan3A_199 : i32 to index
          %get3A_266 = arith.index_cast %multiple_of3A_265 : i32 to index
          %get3A_267 = tpu.vector_load %arg10[%get3A, %get3A_266] {strides = array<i32>} : memref<8x1024xf32, #tpu.memory_space<vmem>>, vector<1x16xf32>,
          %get3A_268 = vector.shape_cast %get3A_267 : vector<1x16xf32> to vector<16xf32>
          %get3A_269 = arith.index_cast %scan3A_199 : i32 to index
          %get3A_270 = arith.index_cast %multiple_of3A_265 : i32 to index
          %get3A_271 = tpu.vector_load %arg14[%get3A_269, %get3A_270] {strides = array<i32>} : memref<8x1024xf32, #tpu.memory_space<vmem>>, vector<1x16xf32>,
          %get3A_272 = vector.shape_cast %get3A_271 : vector<1x16xf32> to vector<16xf32>
          %mul3A_273 = arith.mulf %get3A_268, %get3A_268 : vector<16xf32>
          %add3A_274 = arith.addf %scan3A_260, %mul3A_273 : vector<16xf32>
          %mul3A_275 = arith.mulf %get3A_268, %get3A_272 : vector<16xf32>
          %add3A_276 = arith.addf %scan3A_261, %mul3A_275 : vector<16xf32>
          %mul3A_277 = arith.mulf %get3A_272, %get3A_272 : vector<16xf32>
          %add3A_278 = arith.addf %scan3A_262, %mul3A_277 : vector<16xf32>
          %scan3A_279 = arith.constant 1 : i32
          %scan3A_280 = arith.addi %scan3A_259, %scan3A_279 : i32
          %mul3A_281 = arith.constant 16 : i32
          %mul3A_282 = arith.muli %scan3A_280, %mul3A_281 : i32
          %multiple_of3A_283 = tpu.assume_multiple %mul3A_282, 16 : i32
          %get3A_284 = arith.index_cast %scan3A_199 : i32 to index
          %get3A_285 = arith.index_cast %multiple_of3A_283 : i32 to index
          %get3A_286 = tpu.vector_load %arg10[%get3A_284, %get3A_285] {strides = array<i32>} : memref<8x1024xf32, #tpu.memory_space<vmem>>, vector<1x16xf32>,
          %get3A_287 = vector.shape_cast %get3A_286 : vector<1x16xf32> to vector<16xf32>
          %get3A_288 = arith.index_cast %scan3A_199 : i32 to index
          %get3A_289 = arith.index_cast %multiple_of3A_283 : i32 to index
          %get3A_290 = tpu.vector_load %arg14[%get3A_288, %get3A_289] {strides = array<i32>} : memref<8x1024xf32, #tpu.memory_space<vmem>>, vector<1x16xf32>,
          %get3A_291 = vector.shape_cast %get3A_290 : vector<1x16xf32> to vector<16xf32>
          %mul3A_292 = arith.mulf %get3A_287, %get3A_287 : vector<16xf32>
          %add3A_293 = arith.addf %add3A_274, %mul3A_292 : vector<16xf32>
          %mul3A_294 = arith.mulf %get3A_287, %get3A_291 : vector<16xf32>
          %add3A_295 = arith.addf %add3A_276, %mul3A_294 : vector<16xf32>
          %mul3A_296 = arith.mulf %get3A_291, %get3A_291 : vector<16xf32>
          %add3A_297 = arith.addf %add3A_278, %mul3A_296 : vector<16xf32>
          %scan3A_298 = arith.constant 2 : i32
          %scan3A_299 = arith.addi %scan3A_259, %scan3A_298 : i32
          %mul3A_300 = arith.constant 16 : i32
          %mul3A_301 = arith.muli %scan3A_299, %mul3A_300 : i32
          %multiple_of3A_302 = tpu.assume_multiple %mul3A_301, 16 : i32
          %get3A_303 = arith.index_cast %scan3A_199 : i32 to index
          %get3A_304 = arith.index_cast %multiple_of3A_302 : i32 to index
          %get3A_305 = tpu.vector_load %arg10[%get3A_303, %get3A_304] {strides = array<i32>} : memref<8x1024xf32, #tpu.memory_space<vmem>>, vector<1x16xf32>,
          %get3A_306 = vector.shape_cast %get3A_305 : vector<1x16xf32> to vector<16xf32>
          %get3A_307 = arith.index_cast %scan3A_199 : i32 to index
          %get3A_308 = arith.index_cast %multiple_of3A_302 : i32 to index
          %get3A_309 = tpu.vector_load %arg14[%get3A_307, %get3A_308] {strides = array<i32>} : memref<8x1024xf32, #tpu.memory_space<vmem>>, vector<1x16xf32>,
          %get3A_310 = vector.shape_cast %get3A_309 : vector<1x16xf32> to vector<16xf32>
          %mul3A_311 = arith.mulf %get3A_306, %get3A_306 : vector<16xf32>
          %add3A_312 = arith.addf %add3A_293, %mul3A_311 : vector<16xf32>
          %mul3A_313 = arith.mulf %get3A_306, %get3A_310 : vector<16xf32>
          %add3A_314 = arith.addf %add3A_295, %mul3A_313 : vector<16xf32>
          %mul3A_315 = arith.mulf %get3A_310, %get3A_310 : vector<16xf32>
          %add3A_316 = arith.addf %add3A_297, %mul3A_315 : vector<16xf32>
          %scan3A_317 = arith.constant 3 : i32
          %scan3A_318 = arith.addi %scan3A_259, %scan3A_317 : i32
          %mul3A_319 = arith.constant 16 : i32
          %mul3A_320 = arith.muli %scan3A_318, %mul3A_319 : i32
          %multiple_of3A_321 = tpu.assume_multiple %mul3A_320, 16 : i32
          %get3A_322 = arith.index_cast %scan3A_199 : i32 to index
          %get3A_323 = arith.index_cast %multiple_of3A_321 : i32 to index
          %get3A_324 = tpu.vector_load %arg10[%get3A_322, %get3A_323] {strides = array<i32>} : memref<8x1024xf32, #tpu.memory_space<vmem>>, vector<1x16xf32>,
          %get3A_325 = vector.shape_cast %get3A_324 : vector<1x16xf32> to vector<16xf32>
          %get3A_326 = arith.index_cast %scan3A_199 : i32 to index
          %get3A_327 = arith.index_cast %multiple_of3A_321 : i32 to index
          %get3A_328 = tpu.vector_load %arg14[%get3A_326, %get3A_327] {strides = array<i32>} : memref<8x1024xf32, #tpu.memory_space<vmem>>, vector<1x16xf32>,
          %get3A_329 = vector.shape_cast %get3A_328 : vector<1x16xf32> to vector<16xf32>
          %mul3A_330 = arith.mulf %get3A_325, %get3A_325 : vector<16xf32>
          %add3A_331 = arith.addf %add3A_312, %mul3A_330 : vector<16xf32>
          %mul3A_332 = arith.mulf %get3A_325, %get3A_329 : vector<16xf32>
          %add3A_333 = arith.addf %add3A_314, %mul3A_332 : vector<16xf32>
          %mul3A_334 = arith.mulf %get3A_329, %get3A_329 : vector<16xf32>
          %add3A_335 = arith.addf %add3A_316, %mul3A_334 : vector<16xf32>
          %scan3A_336 = arith.constant 4 : i32
          %scan3A_337 = arith.addi %scan3A_259, %scan3A_336 : i32
          %mul3A_338 = arith.constant 16 : i32
          %mul3A_339 = arith.muli %scan3A_337, %mul3A_338 : i32
          %multiple_of3A_340 = tpu.assume_multiple %mul3A_339, 16 : i32
          %get3A_341 = arith.index_cast %scan3A_199 : i32 to index
          %get3A_342 = arith.index_cast %multiple_of3A_340 : i32 to index
          %get3A_343 = tpu.vector_load %arg10[%get3A_341, %get3A_342] {strides = array<i32>} : memref<8x1024xf32, #tpu.memory_space<vmem>>, vector<1x16xf32>,
          %get3A_344 = vector.shape_cast %get3A_343 : vector<1x16xf32> to vector<16xf32>
          %get3A_345 = arith.index_cast %scan3A_199 : i32 to index
          %get3A_346 = arith.index_cast %multiple_of3A_340 : i32 to index
          %get3A_347 = tpu.vector_load %arg14[%get3A_345, %get3A_346] {strides = array<i32>} : memref<8x1024xf32, #tpu.memory_space<vmem>>, vector<1x16xf32>,
          %get3A_348 = vector.shape_cast %get3A_347 : vector<1x16xf32> to vector<16xf32>
          %mul3A_349 = arith.mulf %get3A_344, %get3A_344 : vector<16xf32>
          %add3A_350 = arith.addf %add3A_331, %mul3A_349 : vector<16xf32>
          %mul3A_351 = arith.mulf %get3A_344, %get3A_348 : vector<16xf32>
          %add3A_352 = arith.addf %add3A_333, %mul3A_351 : vector<16xf32>
          %mul3A_353 = arith.mulf %get3A_348, %get3A_348 : vector<16xf32>
          %add3A_354 = arith.addf %add3A_335, %mul3A_353 : vector<16xf32>
          %scan3A_355 = arith.constant 5 : i32
          %scan3A_356 = arith.addi %scan3A_259, %scan3A_355 : i32
          %mul3A_357 = arith.constant 16 : i32
          %mul3A_358 = arith.muli %scan3A_356, %mul3A_357 : i32
          %multiple_of3A_359 = tpu.assume_multiple %mul3A_358, 16 : i32
          %get3A_360 = arith.index_cast %scan3A_199 : i32 to index
          %get3A_361 = arith.index_cast %multiple_of3A_359 : i32 to index
          %get3A_362 = tpu.vector_load %arg10[%get3A_360, %get3A_361] {strides = array<i32>} : memref<8x1024xf32, #tpu.memory_space<vmem>>, vector<1x16xf32>,
          %get3A_363 = vector.shape_cast %get3A_362 : vector<1x16xf32> to vector<16xf32>
          %get3A_364 = arith.index_cast %scan3A_199 : i32 to index
          %get3A_365 = arith.index_cast %multiple_of3A_359 : i32 to index
          %get3A_366 = tpu.vector_load %arg14[%get3A_364, %get3A_365] {strides = array<i32>} : memref<8x1024xf32, #tpu.memory_space<vmem>>, vector<1x16xf32>,
          %get3A_367 = vector.shape_cast %get3A_366 : vector<1x16xf32> to vector<16xf32>
          %mul3A_368 = arith.mulf %get3A_363, %get3A_363 : vector<16xf32>
          %add3A_369 = arith.addf %add3A_350, %mul3A_368 : vector<16xf32>
          %mul3A_370 = arith.mulf %get3A_363, %get3A_367 : vector<16xf32>
          %add3A_371 = arith.addf %add3A_352, %mul3A_370 : vector<16xf32>
          %mul3A_372 = arith.mulf %get3A_367, %get3A_367 : vector<16xf32>
          %add3A_373 = arith.addf %add3A_354, %mul3A_372 : vector<16xf32>
          %scan3A_374 = arith.constant 6 : i32
          %scan3A_375 = arith.addi %scan3A_259, %scan3A_374 : i32
          %mul3A_376 = arith.constant 16 : i32
          %mul3A_377 = arith.muli %scan3A_375, %mul3A_376 : i32
          %multiple_of3A_378 = tpu.assume_multiple %mul3A_377, 16 : i32
          %get3A_379 = arith.index_cast %scan3A_199 : i32 to index
          %get3A_380 = arith.index_cast %multiple_of3A_378 : i32 to index
          %get3A_381 = tpu.vector_load %arg10[%get3A_379, %get3A_380] {strides = array<i32>} : memref<8x1024xf32, #tpu.memory_space<vmem>>, vector<1x16xf32>,
          %get3A_382 = vector.shape_cast %get3A_381 : vector<1x16xf32> to vector<16xf32>
          %get3A_383 = arith.index_cast %scan3A_199 : i32 to index
          %get3A_384 = arith.index_cast %multiple_of3A_378 : i32 to index
          %get3A_385 = tpu.vector_load %arg14[%get3A_383, %get3A_384] {strides = array<i32>} : memref<8x1024xf32, #tpu.memory_space<vmem>>, vector<1x16xf32>,
          %get3A_386 = vector.shape_cast %get3A_385 : vector<1x16xf32> to vector<16xf32>
          %mul3A_387 = arith.mulf %get3A_382, %get3A_382 : vector<16xf32>
          %add3A_388 = arith.addf %add3A_369, %mul3A_387 : vector<16xf32>
          %mul3A_389 = arith.mulf %get3A_382, %get3A_386 : vector<16xf32>
          %add3A_390 = arith.addf %add3A_371, %mul3A_389 : vector<16xf32>
          %mul3A_391 = arith.mulf %get3A_386, %get3A_386 : vector<16xf32>
          %add3A_392 = arith.addf %add3A_373, %mul3A_391 : vector<16xf32>
          %scan3A_393 = arith.constant 7 : i32
          %scan3A_394 = arith.addi %scan3A_259, %scan3A_393 : i32
          %mul3A_395 = arith.constant 16 : i32
          %mul3A_396 = arith.muli %scan3A_394, %mul3A_395 : i32
          %multiple_of3A_397 = tpu.assume_multiple %mul3A_396, 16 : i32
          %get3A_398 = arith.index_cast %scan3A_199 : i32 to index
          %get3A_399 = arith.index_cast %multiple_of3A_397 : i32 to index
          %get3A_400 = tpu.vector_load %arg10[%get3A_398, %get3A_399] {strides = array<i32>} : memref<8x1024xf32, #tpu.memory_space<vmem>>, vector<1x16xf32>,
          %get3A_401 = vector.shape_cast %get3A_400 : vector<1x16xf32> to vector<16xf32>
          %get3A_402 = arith.index_cast %scan3A_199 : i32 to index
          %get3A_403 = arith.index_cast %multiple_of3A_397 : i32 to index
          %get3A_404 = tpu.vector_load %arg14[%get3A_402, %get3A_403] {strides = array<i32>} : memref<8x1024xf32, #tpu.memory_space<vmem>>, vector<1x16xf32>,
          %get3A_405 = vector.shape_cast %get3A_404 : vector<1x16xf32> to vector<16xf32>
          %mul3A_406 = arith.mulf %get3A_401, %get3A_401 : vector<16xf32>
          %add3A_407 = arith.addf %add3A_388, %mul3A_406 : vector<16xf32>
          %mul3A_408 = arith.mulf %get3A_401, %get3A_405 : vector<16xf32>
          %add3A_409 = arith.addf %add3A_390, %mul3A_408 : vector<16xf32>
          %mul3A_410 = arith.mulf %get3A_405, %get3A_405 : vector<16xf32>
          %add3A_411 = arith.addf %add3A_392, %mul3A_410 : vector<16xf32>
          scf.yield %add3A_407, %add3A_409, %add3A_411 : vector<16xf32>, vector<16xf32>, vector<16xf32>
        }
        %scan3A_207 = arith.constant 64 : i32
        %mul3A_208 = arith.constant 8 : i32
        %mul3A_209 = arith.muli %add3A_91, %mul3A_208 : i32
        %add3A_210 = arith.addi %mul3A_209, %scan3A_199 : i32
        %mul3A_211 = arith.constant 16 : i32
        %mul3A_212 = arith.muli %add3A_210, %mul3A_211 : i32
        %jit3A = arith.constant 128 : i32
        %div3A = arith.divsi %mul3A_212, %jit3A : i32
        %sign3A = arith.constant 0 : i32
        %sign3A_213 = arith.cmpi sgt, %mul3A_212, %sign3A : i32
        %sign3A_214 = arith.extui %sign3A_213 : i1 to i32
        %sign3A_215 = arith.constant 0 : i32
        %sign3A_216 = arith.cmpi slt, %mul3A_212, %sign3A_215 : i32
        %sign3A_217 = arith.extui %sign3A_216 : i1 to i32
        %sign3A_218 = arith.subi %sign3A_214, %sign3A_217 : i32
        %sign3A_219 = arith.constant 0 : i32
        %sign3A_220 = arith.cmpi sgt, %jit3A, %sign3A_219 : i32
        %sign3A_221 = arith.extui %sign3A_220 : i1 to i32
        %sign3A_222 = arith.constant 0 : i32
        %sign3A_223 = arith.cmpi slt, %jit3A, %sign3A_222 : i32
        %sign3A_224 = arith.extui %sign3A_223 : i1 to i32
        %sign3A_225 = arith.subi %sign3A_221, %sign3A_224 : i32
        %ne3A = arith.cmpi ne, %sign3A_218, %sign3A_225 : i32
        %rem3A = arith.remsi %mul3A_212, %jit3A : i32
        %ne3A_226 = arith.constant 0 : i32
        %ne3A_227 = arith.cmpi ne, %rem3A, %ne3A_226 : i32
        %and3A = arith.andi %ne3A, %ne3A_227 : i1
        %sub3A = arith.constant 1 : i32
        %sub3A_228 = arith.subi %div3A, %sub3A : i32
        %select_n3A = arith.select %and3A, %sub3A_228, %div3A : i32
        %jit3A_229 = arith.constant 128 : i32
        %eq3A = arith.constant 0 : i32
        %eq3A_230 = arith.cmpi eq, %jit3A_229, %eq3A : i32
        %jit3A_231 = arith.constant 1 : i32
        %select_n3A_232 = arith.select %eq3A_230, %jit3A_231, %jit3A_229 : i32
        %rem3A_233 = arith.remsi %mul3A_212, %select_n3A_232 : i32
        %ne3A_234 = arith.constant 0 : i32
        %ne3A_235 = arith.cmpi ne, %rem3A_233, %ne3A_234 : i32
        %lt3A_236 = arith.constant 0 : i32
        %lt3A_237 = arith.cmpi slt, %rem3A_233, %lt3A_236 : i32
        %lt3A_238 = arith.constant 0 : i32
        %lt3A_239 = arith.cmpi slt, %select_n3A_232, %lt3A_238 : i32
        %ne3A_240 = arith.xori %lt3A_237, %lt3A_239 : i1
        %and3A_241 = arith.andi %ne3A_240, %ne3A_235 : i1
        %add3A_242 = arith.addi %rem3A_233, %select_n3A_232 : i32
        %select_n3A_243 = arith.select %and3A_241, %add3A_242, %rem3A_233 : i32
        %multiple_of3A = tpu.assume_multiple %select_n3A_243, 16 : i32
        %swap3A = arith.index_cast %select_n3A : i32 to index
        %swap3A_244 = arith.index_cast %multiple_of3A : i32 to index
        %swap3A_245 = tpu.vector_load %arg17[%swap3A, %swap3A_244] {strides = array<i32>} : memref<64x128xf32, #tpu.memory_space<vmem>>, vector<1x16xf32>,
        %swap3A_246 = vector.shape_cast %swap3A_245 : vector<1x16xf32> to vector<16xf32>
        %swap3A_247 = vector.shape_cast %scan3A_206#0 : vector<16xf32> to vector<1x16xf32>
        tpu.vector_store %arg17[%swap3A, %swap3A_244], %swap3A_247 {strides = array<i32>} : memref<64x128xf32, #tpu.memory_space<vmem>>, vector<1x16xf32>,
        %swap3A_248 = arith.index_cast %select_n3A : i32 to index
        %swap3A_249 = arith.index_cast %multiple_of3A : i32 to index
        %swap3A_250 = tpu.vector_load %arg18[%swap3A_248, %swap3A_249] {strides = array<i32>} : memref<64x128xf32, #tpu.memory_space<vmem>>, vector<1x16xf32>,
        %swap3A_251 = vector.shape_cast %swap3A_250 : vector<1x16xf32> to vector<16xf32>
        %swap3A_252 = vector.shape_cast %scan3A_206#1 : vector<16xf32> to vector<1x16xf32>
        tpu.vector_store %arg18[%swap3A_248, %swap3A_249], %swap3A_252 {strides = array<i32>} : memref<64x128xf32, #tpu.memory_space<vmem>>, vector<1x16xf32>,
        %swap3A_253 = arith.index_cast %select_n3A : i32 to index
        %swap3A_254 = arith.index_cast %multiple_of3A : i32 to index
        %swap3A_255 = tpu.vector_load %arg19[%swap3A_253, %swap3A_254] {strides = array<i32>} : memref<64x128xf32, #tpu.memory_space<vmem>>, vector<1x16xf32>,
        %swap3A_256 = vector.shape_cast %swap3A_255 : vector<1x16xf32> to vector<16xf32>
        %swap3A_257 = vector.shape_cast %scan3A_206#2 : vector<16xf32> to vector<1x16xf32>
        tpu.vector_store %arg19[%swap3A_253, %swap3A_254], %swap3A_257 {strides = array<i32>} : memref<64x128xf32, #tpu.memory_space<vmem>>, vector<1x16xf32>,
        %scan3A_258 = arith.constant 0 : i32
        scf.yield %scan3A_258 : i32
      }
      %scan3A_111 = arith.constant 8 : i32
      %add3A_112 = arith.constant 4 : i32
      %add3A_113 = arith.addi %add3A_91, %add3A_112 : i32
      %lt3A_114 = arith.constant 64 : i32
      %lt3A_115 = arith.cmpi slt, %add3A_113, %lt3A_114 : i32
      %convert_element_type3A_116 = arith.extui %lt3A_115 : i1 to i32
      %cond3A_117 = arith.constant 0 : i32
      %cond3A_118 = arith.cmpi ne, %convert_element_type3A_116, %cond3A_117 : i32
      scf.if %cond3A_118 {
        %add3A_199 = arith.constant 4 : i32
        %add3A_200 = arith.addi %add3A_91, %add3A_199 : i32
        %mul3A_201 = arith.constant 8 : i32
        %mul3A_202 = arith.muli %add3A_200, %mul3A_201 : i32
        %add3A_203 = arith.addi %mul3A_2, %mul3A_202 : i32
        %dma_start3A_204 = arith.constant 0 : i32
        %dma_start3A_205 = tpu.memref_slice %arg2[%add3A_203, %dma_start3A_204] : memref<16384x1024xf32, #tpu.memory_space<hbm>> -> memref<8x1024xf32, #tpu.memory_space<hbm>>
        %dma_start3A_206 = arith.constant 0 : i32
        %dma_start3A_207 = tpu.memref_slice %arg2[%add3A_203, %dma_start3A_206] : memref<16384x1024xf32, #tpu.memory_space<hbm>> -> memref<8x1024xf32, #tpu.memory_space<hbm>>
        tpu.enqueue_dma source(%dma_start3A_207 : memref<8x1024xf32, #tpu.memory_space<hbm>>) target(%arg10 : memref<8x1024xf32, #tpu.memory_space<vmem>>) target_semaphore(%arg21 : memref<!tpu.dma_semaphore, #tpu.memory_space<semaphore_mem>>)
      } else {
      }
      %add3A_119 = arith.constant 4 : i32
      %add3A_120 = arith.addi %add3A_91, %add3A_119 : i32
      %lt3A_121 = arith.constant 64 : i32
      %lt3A_122 = arith.cmpi slt, %add3A_120, %lt3A_121 : i32
      %convert_element_type3A_123 = arith.extui %lt3A_122 : i1 to i32
      %cond3A_124 = arith.constant 0 : i32
      %cond3A_125 = arith.cmpi ne, %convert_element_type3A_123, %cond3A_124 : i32
      scf.if %cond3A_125 {
        %add3A_199 = arith.constant 4 : i32
        %add3A_200 = arith.addi %add3A_91, %add3A_199 : i32
        %mul3A_201 = arith.constant 8 : i32
        %mul3A_202 = arith.muli %add3A_200, %mul3A_201 : i32
        %dma_start3A_203 = tpu.memref_slice %arg8[%mul3A_202] : memref<512xi32, #tpu.memory_space<vmem>> -> memref<8xi32, #tpu.memory_space<vmem>>
        %dma_start3A_204 = arith.constant 0 : i32
        %dma_start3A_205 = arith.constant 0 : i32
        %dma_start3A_206 = tpu.memref_slice %arg4[%dma_start3A_204, %dma_start3A_205] : memref<10000x1024xf32, #tpu.memory_space<hbm>> -> memref<10000x1024xf32, #tpu.memory_space<hbm>>
        tpu.enqueue_indirect_dma source(%dma_start3A_206 : memref<10000x1024xf32, #tpu.memory_space<hbm>>) target(%arg14 : memref<8x1024xf32, #tpu.memory_space<vmem>>) offsets(%dma_start3A_203 : memref<8xi32, #tpu.memory_space<vmem>>) semaphore(%arg25 : memref<!tpu.dma_semaphore, #tpu.memory_space<semaphore_mem>>)
      } else {
      }
      %add3A_126 = arith.constant 2 : i32
      %add3A_127 = arith.addi %mul3A_57, %add3A_126 : i32
      %mul3A_128 = arith.constant 8 : i32
      %mul3A_129 = arith.muli %add3A_127, %mul3A_128 : i32
      %add3A_130 = arith.addi %mul3A_2, %mul3A_129 : i32
      %dma_wait3A_131 = arith.constant 0 : i32
      %dma_wait3A_132 = tpu.memref_slice %arg2[%add3A_130, %dma_wait3A_131] : memref<16384x1024xf32, #tpu.memory_space<hbm>> -> memref<8x1024xf32, #tpu.memory_space<hbm>>
      %dma_wait3A_133 = arith.constant 0 : i32
      %dma_wait3A_134 = tpu.memref_slice %arg2[%add3A_130, %dma_wait3A_133] : memref<16384x1024xf32, #tpu.memory_space<hbm>> -> memref<8x1024xf32, #tpu.memory_space<hbm>>
      tpu.wait_dma2 semaphore(%arg22 : memref<!tpu.dma_semaphore, #tpu.memory_space<semaphore_mem>>) src(%dma_wait3A_134 : memref<8x1024xf32, #tpu.memory_space<hbm>>) dst(%arg11 : memref<8x1024xf32, #tpu.memory_space<vmem>>)
      %mul3A_135 = arith.constant 8 : i32
      %mul3A_136 = arith.muli %add3A_127, %mul3A_135 : i32
      %dma_wait3A_137 = tpu.memref_slice %arg8[%mul3A_136] : memref<512xi32, #tpu.memory_space<vmem>> -> memref<8xi32, #tpu.memory_space<vmem>>
      %dma_wait3A_138 = arith.constant 0 : i32
      %dma_wait3A_139 = arith.constant 0 : i32
      %dma_wait3A_140 = tpu.memref_slice %arg4[%dma_wait3A_138, %dma_wait3A_139] : memref<10000x1024xf32, #tpu.memory_space<hbm>> -> memref<10000x1024xf32, #tpu.memory_space<hbm>>
      tpu.wait_indirect_dma semaphore(%arg26 : memref<!tpu.dma_semaphore, #tpu.memory_space<semaphore_mem>>) src(%dma_wait3A_140 : memref<10000x1024xf32, #tpu.memory_space<hbm>>) dst(%arg15 : memref<8x1024xf32, #tpu.memory_space<vmem>>)
      %scan3A_141 = arith.constant 0 : i32
      %scan3A_142 = arith.constant 0 : i32
      %scan3A_143 = arith.constant 8 : i32
      %scan3A_144 = arith.addi %scan3A_142, %scan3A_143 : i32
      %scan3A_145 = arith.constant 1 : i32
      %scan3A_146 = scf.for %scan3A_199 = %scan3A_142 to %scan3A_144 step %scan3A_145 iter_args(%scan3A_200 = %scan3A_141) -> (i32)  : i32 {
        %broadcast_in_dim3A = arith.constant 0.000000e+00 : f32
        %broadcast_in_dim3A_201 = vector.broadcast %broadcast_in_dim3A : f32 to vector<16xf32>
        %scan3A_202 = arith.constant 0 : i32
        %scan3A_203 = arith.constant 64 : i32
        %scan3A_204 = arith.addi %scan3A_202, %scan3A_203 : i32
        %scan3A_205 = arith.constant 8 : i32
        %scan3A_206:3 = scf.for %scan3A_259 = %scan3A_202 to %scan3A_204 step %scan3A_205 iter_args(%scan3A_260 = %broadcast_in_dim3A_201, %scan3A_261 = %broadcast_in_dim3A_201, %scan3A_262 = %broadcast_in_dim3A_201) -> (vector<16xf32>, vector<16xf32>, vector<16xf32>)  : i32 {
          %mul3A_263 = arith.constant 16 : i32
          %mul3A_264 = arith.muli %scan3A_259, %mul3A_263 : i32
          %multiple_of3A_265 = tpu.assume_multiple %mul3A_264, 16 : i32
          %get3A = arith.index_cast %scan3A_199 : i32 to index
          %get3A_266 = arith.index_cast %multiple_of3A_265 : i32 to index
          %get3A_267 = tpu.vector_load %arg11[%get3A, %get3A_266] {strides = array<i32>} : memref<8x1024xf32, #tpu.memory_space<vmem>>, vector<1x16xf32>,
          %get3A_268 = vector.shape_cast %get3A_267 : vector<1x16xf32> to vector<16xf32>
          %get3A_269 = arith.index_cast %scan3A_199 : i32 to index
          %get3A_270 = arith.index_cast %multiple_of3A_265 : i32 to index
          %get3A_271 = tpu.vector_load %arg15[%get3A_269, %get3A_270] {strides = array<i32>} : memref<8x1024xf32, #tpu.memory_space<vmem>>, vector<1x16xf32>,
          %get3A_272 = vector.shape_cast %get3A_271 : vector<1x16xf32> to vector<16xf32>
          %mul3A_273 = arith.mulf %get3A_268, %get3A_268 : vector<16xf32>
          %add3A_274 = arith.addf %scan3A_260, %mul3A_273 : vector<16xf32>
          %mul3A_275 = arith.mulf %get3A_268, %get3A_272 : vector<16xf32>
          %add3A_276 = arith.addf %scan3A_261, %mul3A_275 : vector<16xf32>
          %mul3A_277 = arith.mulf %get3A_272, %get3A_272 : vector<16xf32>
          %add3A_278 = arith.addf %scan3A_262, %mul3A_277 : vector<16xf32>
          %scan3A_279 = arith.constant 1 : i32
          %scan3A_280 = arith.addi %scan3A_259, %scan3A_279 : i32
          %mul3A_281 = arith.constant 16 : i32
          %mul3A_282 = arith.muli %scan3A_280, %mul3A_281 : i32
          %multiple_of3A_283 = tpu.assume_multiple %mul3A_282, 16 : i32
          %get3A_284 = arith.index_cast %scan3A_199 : i32 to index
          %get3A_285 = arith.index_cast %multiple_of3A_283 : i32 to index
          %get3A_286 = tpu.vector_load %arg11[%get3A_284, %get3A_285] {strides = array<i32>} : memref<8x1024xf32, #tpu.memory_space<vmem>>, vector<1x16xf32>,
          %get3A_287 = vector.shape_cast %get3A_286 : vector<1x16xf32> to vector<16xf32>
          %get3A_288 = arith.index_cast %scan3A_199 : i32 to index
          %get3A_289 = arith.index_cast %multiple_of3A_283 : i32 to index
          %get3A_290 = tpu.vector_load %arg15[%get3A_288, %get3A_289] {strides = array<i32>} : memref<8x1024xf32, #tpu.memory_space<vmem>>, vector<1x16xf32>,
          %get3A_291 = vector.shape_cast %get3A_290 : vector<1x16xf32> to vector<16xf32>
          %mul3A_292 = arith.mulf %get3A_287, %get3A_287 : vector<16xf32>
          %add3A_293 = arith.addf %add3A_274, %mul3A_292 : vector<16xf32>
          %mul3A_294 = arith.mulf %get3A_287, %get3A_291 : vector<16xf32>
          %add3A_295 = arith.addf %add3A_276, %mul3A_294 : vector<16xf32>
          %mul3A_296 = arith.mulf %get3A_291, %get3A_291 : vector<16xf32>
          %add3A_297 = arith.addf %add3A_278, %mul3A_296 : vector<16xf32>
          %scan3A_298 = arith.constant 2 : i32
          %scan3A_299 = arith.addi %scan3A_259, %scan3A_298 : i32
          %mul3A_300 = arith.constant 16 : i32
          %mul3A_301 = arith.muli %scan3A_299, %mul3A_300 : i32
          %multiple_of3A_302 = tpu.assume_multiple %mul3A_301, 16 : i32
          %get3A_303 = arith.index_cast %scan3A_199 : i32 to index
          %get3A_304 = arith.index_cast %multiple_of3A_302 : i32 to index
          %get3A_305 = tpu.vector_load %arg11[%get3A_303, %get3A_304] {strides = array<i32>} : memref<8x1024xf32, #tpu.memory_space<vmem>>, vector<1x16xf32>,
          %get3A_306 = vector.shape_cast %get3A_305 : vector<1x16xf32> to vector<16xf32>
          %get3A_307 = arith.index_cast %scan3A_199 : i32 to index
          %get3A_308 = arith.index_cast %multiple_of3A_302 : i32 to index
          %get3A_309 = tpu.vector_load %arg15[%get3A_307, %get3A_308] {strides = array<i32>} : memref<8x1024xf32, #tpu.memory_space<vmem>>, vector<1x16xf32>,
          %get3A_310 = vector.shape_cast %get3A_309 : vector<1x16xf32> to vector<16xf32>
          %mul3A_311 = arith.mulf %get3A_306, %get3A_306 : vector<16xf32>
          %add3A_312 = arith.addf %add3A_293, %mul3A_311 : vector<16xf32>
          %mul3A_313 = arith.mulf %get3A_306, %get3A_310 : vector<16xf32>
          %add3A_314 = arith.addf %add3A_295, %mul3A_313 : vector<16xf32>
          %mul3A_315 = arith.mulf %get3A_310, %get3A_310 : vector<16xf32>
          %add3A_316 = arith.addf %add3A_297, %mul3A_315 : vector<16xf32>
          %scan3A_317 = arith.constant 3 : i32
          %scan3A_318 = arith.addi %scan3A_259, %scan3A_317 : i32
          %mul3A_319 = arith.constant 16 : i32
          %mul3A_320 = arith.muli %scan3A_318, %mul3A_319 : i32
          %multiple_of3A_321 = tpu.assume_multiple %mul3A_320, 16 : i32
          %get3A_322 = arith.index_cast %scan3A_199 : i32 to index
          %get3A_323 = arith.index_cast %multiple_of3A_321 : i32 to index
          %get3A_324 = tpu.vector_load %arg11[%get3A_322, %get3A_323] {strides = array<i32>} : memref<8x1024xf32, #tpu.memory_space<vmem>>, vector<1x16xf32>,
          %get3A_325 = vector.shape_cast %get3A_324 : vector<1x16xf32> to vector<16xf32>
          %get3A_326 = arith.index_cast %scan3A_199 : i32 to index
          %get3A_327 = arith.index_cast %multiple_of3A_321 : i32 to index
          %get3A_328 = tpu.vector_load %arg15[%get3A_326, %get3A_327] {strides = array<i32>} : memref<8x1024xf32, #tpu.memory_space<vmem>>, vector<1x16xf32>,
          %get3A_329 = vector.shape_cast %get3A_328 : vector<1x16xf32> to vector<16xf32>
          %mul3A_330 = arith.mulf %get3A_325, %get3A_325 : vector<16xf32>
          %add3A_331 = arith.addf %add3A_312, %mul3A_330 : vector<16xf32>
          %mul3A_332 = arith.mulf %get3A_325, %get3A_329 : vector<16xf32>
          %add3A_333 = arith.addf %add3A_314, %mul3A_332 : vector<16xf32>
          %mul3A_334 = arith.mulf %get3A_329, %get3A_329 : vector<16xf32>
          %add3A_335 = arith.addf %add3A_316, %mul3A_334 : vector<16xf32>
          %scan3A_336 = arith.constant 4 : i32
          %scan3A_337 = arith.addi %scan3A_259, %scan3A_336 : i32
          %mul3A_338 = arith.constant 16 : i32
          %mul3A_339 = arith.muli %scan3A_337, %mul3A_338 : i32
          %multiple_of3A_340 = tpu.assume_multiple %mul3A_339, 16 : i32
          %get3A_341 = arith.index_cast %scan3A_199 : i32 to index
          %get3A_342 = arith.index_cast %multiple_of3A_340 : i32 to index
          %get3A_343 = tpu.vector_load %arg11[%get3A_341, %get3A_342] {strides = array<i32>} : memref<8x1024xf32, #tpu.memory_space<vmem>>, vector<1x16xf32>,
          %get3A_344 = vector.shape_cast %get3A_343 : vector<1x16xf32> to vector<16xf32>
          %get3A_345 = arith.index_cast %scan3A_199 : i32 to index
          %get3A_346 = arith.index_cast %multiple_of3A_340 : i32 to index
          %get3A_347 = tpu.vector_load %arg15[%get3A_345, %get3A_346] {strides = array<i32>} : memref<8x1024xf32, #tpu.memory_space<vmem>>, vector<1x16xf32>,
          %get3A_348 = vector.shape_cast %get3A_347 : vector<1x16xf32> to vector<16xf32>
          %mul3A_349 = arith.mulf %get3A_344, %get3A_344 : vector<16xf32>
          %add3A_350 = arith.addf %add3A_331, %mul3A_349 : vector<16xf32>
          %mul3A_351 = arith.mulf %get3A_344, %get3A_348 : vector<16xf32>
          %add3A_352 = arith.addf %add3A_333, %mul3A_351 : vector<16xf32>
          %mul3A_353 = arith.mulf %get3A_348, %get3A_348 : vector<16xf32>
          %add3A_354 = arith.addf %add3A_335, %mul3A_353 : vector<16xf32>
          %scan3A_355 = arith.constant 5 : i32
          %scan3A_356 = arith.addi %scan3A_259, %scan3A_355 : i32
          %mul3A_357 = arith.constant 16 : i32
          %mul3A_358 = arith.muli %scan3A_356, %mul3A_357 : i32
          %multiple_of3A_359 = tpu.assume_multiple %mul3A_358, 16 : i32
          %get3A_360 = arith.index_cast %scan3A_199 : i32 to index
          %get3A_361 = arith.index_cast %multiple_of3A_359 : i32 to index
          %get3A_362 = tpu.vector_load %arg11[%get3A_360, %get3A_361] {strides = array<i32>} : memref<8x1024xf32, #tpu.memory_space<vmem>>, vector<1x16xf32>,
          %get3A_363 = vector.shape_cast %get3A_362 : vector<1x16xf32> to vector<16xf32>
          %get3A_364 = arith.index_cast %scan3A_199 : i32 to index
          %get3A_365 = arith.index_cast %multiple_of3A_359 : i32 to index
          %get3A_366 = tpu.vector_load %arg15[%get3A_364, %get3A_365] {strides = array<i32>} : memref<8x1024xf32, #tpu.memory_space<vmem>>, vector<1x16xf32>,
          %get3A_367 = vector.shape_cast %get3A_366 : vector<1x16xf32> to vector<16xf32>
          %mul3A_368 = arith.mulf %get3A_363, %get3A_363 : vector<16xf32>
          %add3A_369 = arith.addf %add3A_350, %mul3A_368 : vector<16xf32>
          %mul3A_370 = arith.mulf %get3A_363, %get3A_367 : vector<16xf32>
          %add3A_371 = arith.addf %add3A_352, %mul3A_370 : vector<16xf32>
          %mul3A_372 = arith.mulf %get3A_367, %get3A_367 : vector<16xf32>
          %add3A_373 = arith.addf %add3A_354, %mul3A_372 : vector<16xf32>
          %scan3A_374 = arith.constant 6 : i32
          %scan3A_375 = arith.addi %scan3A_259, %scan3A_374 : i32
          %mul3A_376 = arith.constant 16 : i32
          %mul3A_377 = arith.muli %scan3A_375, %mul3A_376 : i32
          %multiple_of3A_378 = tpu.assume_multiple %mul3A_377, 16 : i32
          %get3A_379 = arith.index_cast %scan3A_199 : i32 to index
          %get3A_380 = arith.index_cast %multiple_of3A_378 : i32 to index
          %get3A_381 = tpu.vector_load %arg11[%get3A_379, %get3A_380] {strides = array<i32>} : memref<8x1024xf32, #tpu.memory_space<vmem>>, vector<1x16xf32>,
          %get3A_382 = vector.shape_cast %get3A_381 : vector<1x16xf32> to vector<16xf32>
          %get3A_383 = arith.index_cast %scan3A_199 : i32 to index
          %get3A_384 = arith.index_cast %multiple_of3A_378 : i32 to index
          %get3A_385 = tpu.vector_load %arg15[%get3A_383, %get3A_384] {strides = array<i32>} : memref<8x1024xf32, #tpu.memory_space<vmem>>, vector<1x16xf32>,
          %get3A_386 = vector.shape_cast %get3A_385 : vector<1x16xf32> to vector<16xf32>
          %mul3A_387 = arith.mulf %get3A_382, %get3A_382 : vector<16xf32>
          %add3A_388 = arith.addf %add3A_369, %mul3A_387 : vector<16xf32>
          %mul3A_389 = arith.mulf %get3A_382, %get3A_386 : vector<16xf32>
          %add3A_390 = arith.addf %add3A_371, %mul3A_389 : vector<16xf32>
          %mul3A_391 = arith.mulf %get3A_386, %get3A_386 : vector<16xf32>
          %add3A_392 = arith.addf %add3A_373, %mul3A_391 : vector<16xf32>
          %scan3A_393 = arith.constant 7 : i32
          %scan3A_394 = arith.addi %scan3A_259, %scan3A_393 : i32
          %mul3A_395 = arith.constant 16 : i32
          %mul3A_396 = arith.muli %scan3A_394, %mul3A_395 : i32
          %multiple_of3A_397 = tpu.assume_multiple %mul3A_396, 16 : i32
          %get3A_398 = arith.index_cast %scan3A_199 : i32 to index
          %get3A_399 = arith.index_cast %multiple_of3A_397 : i32 to index
          %get3A_400 = tpu.vector_load %arg11[%get3A_398, %get3A_399] {strides = array<i32>} : memref<8x1024xf32, #tpu.memory_space<vmem>>, vector<1x16xf32>,
          %get3A_401 = vector.shape_cast %get3A_400 : vector<1x16xf32> to vector<16xf32>
          %get3A_402 = arith.index_cast %scan3A_199 : i32 to index
          %get3A_403 = arith.index_cast %multiple_of3A_397 : i32 to index
          %get3A_404 = tpu.vector_load %arg15[%get3A_402, %get3A_403] {strides = array<i32>} : memref<8x1024xf32, #tpu.memory_space<vmem>>, vector<1x16xf32>,
          %get3A_405 = vector.shape_cast %get3A_404 : vector<1x16xf32> to vector<16xf32>
          %mul3A_406 = arith.mulf %get3A_401, %get3A_401 : vector<16xf32>
          %add3A_407 = arith.addf %add3A_388, %mul3A_406 : vector<16xf32>
          %mul3A_408 = arith.mulf %get3A_401, %get3A_405 : vector<16xf32>
          %add3A_409 = arith.addf %add3A_390, %mul3A_408 : vector<16xf32>
          %mul3A_410 = arith.mulf %get3A_405, %get3A_405 : vector<16xf32>
          %add3A_411 = arith.addf %add3A_392, %mul3A_410 : vector<16xf32>
          scf.yield %add3A_407, %add3A_409, %add3A_411 : vector<16xf32>, vector<16xf32>, vector<16xf32>
        }
        %scan3A_207 = arith.constant 64 : i32
        %mul3A_208 = arith.constant 8 : i32
        %mul3A_209 = arith.muli %add3A_127, %mul3A_208 : i32
        %add3A_210 = arith.addi %mul3A_209, %scan3A_199 : i32
        %mul3A_211 = arith.constant 16 : i32
        %mul3A_212 = arith.muli %add3A_210, %mul3A_211 : i32
        %jit3A = arith.constant 128 : i32
        %div3A = arith.divsi %mul3A_212, %jit3A : i32
        %sign3A = arith.constant 0 : i32
        %sign3A_213 = arith.cmpi sgt, %mul3A_212, %sign3A : i32
        %sign3A_214 = arith.extui %sign3A_213 : i1 to i32
        %sign3A_215 = arith.constant 0 : i32
        %sign3A_216 = arith.cmpi slt, %mul3A_212, %sign3A_215 : i32
        %sign3A_217 = arith.extui %sign3A_216 : i1 to i32
        %sign3A_218 = arith.subi %sign3A_214, %sign3A_217 : i32
        %sign3A_219 = arith.constant 0 : i32
        %sign3A_220 = arith.cmpi sgt, %jit3A, %sign3A_219 : i32
        %sign3A_221 = arith.extui %sign3A_220 : i1 to i32
        %sign3A_222 = arith.constant 0 : i32
        %sign3A_223 = arith.cmpi slt, %jit3A, %sign3A_222 : i32
        %sign3A_224 = arith.extui %sign3A_223 : i1 to i32
        %sign3A_225 = arith.subi %sign3A_221, %sign3A_224 : i32
        %ne3A = arith.cmpi ne, %sign3A_218, %sign3A_225 : i32
        %rem3A = arith.remsi %mul3A_212, %jit3A : i32
        %ne3A_226 = arith.constant 0 : i32
        %ne3A_227 = arith.cmpi ne, %rem3A, %ne3A_226 : i32
        %and3A = arith.andi %ne3A, %ne3A_227 : i1
        %sub3A = arith.constant 1 : i32
        %sub3A_228 = arith.subi %div3A, %sub3A : i32
        %select_n3A = arith.select %and3A, %sub3A_228, %div3A : i32
        %jit3A_229 = arith.constant 128 : i32
        %eq3A = arith.constant 0 : i32
        %eq3A_230 = arith.cmpi eq, %jit3A_229, %eq3A : i32
        %jit3A_231 = arith.constant 1 : i32
        %select_n3A_232 = arith.select %eq3A_230, %jit3A_231, %jit3A_229 : i32
        %rem3A_233 = arith.remsi %mul3A_212, %select_n3A_232 : i32
        %ne3A_234 = arith.constant 0 : i32
        %ne3A_235 = arith.cmpi ne, %rem3A_233, %ne3A_234 : i32
        %lt3A_236 = arith.constant 0 : i32
        %lt3A_237 = arith.cmpi slt, %rem3A_233, %lt3A_236 : i32
        %lt3A_238 = arith.constant 0 : i32
        %lt3A_239 = arith.cmpi slt, %select_n3A_232, %lt3A_238 : i32
        %ne3A_240 = arith.xori %lt3A_237, %lt3A_239 : i1
        %and3A_241 = arith.andi %ne3A_240, %ne3A_235 : i1
        %add3A_242 = arith.addi %rem3A_233, %select_n3A_232 : i32
        %select_n3A_243 = arith.select %and3A_241, %add3A_242, %rem3A_233 : i32
        %multiple_of3A = tpu.assume_multiple %select_n3A_243, 16 : i32
        %swap3A = arith.index_cast %select_n3A : i32 to index
        %swap3A_244 = arith.index_cast %multiple_of3A : i32 to index
        %swap3A_245 = tpu.vector_load %arg17[%swap3A, %swap3A_244] {strides = array<i32>} : memref<64x128xf32, #tpu.memory_space<vmem>>, vector<1x16xf32>,
        %swap3A_246 = vector.shape_cast %swap3A_245 : vector<1x16xf32> to vector<16xf32>
        %swap3A_247 = vector.shape_cast %scan3A_206#0 : vector<16xf32> to vector<1x16xf32>
        tpu.vector_store %arg17[%swap3A, %swap3A_244], %swap3A_247 {strides = array<i32>} : memref<64x128xf32, #tpu.memory_space<vmem>>, vector<1x16xf32>,
        %swap3A_248 = arith.index_cast %select_n3A : i32 to index
        %swap3A_249 = arith.index_cast %multiple_of3A : i32 to index
        %swap3A_250 = tpu.vector_load %arg18[%swap3A_248, %swap3A_249] {strides = array<i32>} : memref<64x128xf32, #tpu.memory_space<vmem>>, vector<1x16xf32>,
        %swap3A_251 = vector.shape_cast %swap3A_250 : vector<1x16xf32> to vector<16xf32>
        %swap3A_252 = vector.shape_cast %scan3A_206#1 : vector<16xf32> to vector<1x16xf32>
        tpu.vector_store %arg18[%swap3A_248, %swap3A_249], %swap3A_252 {strides = array<i32>} : memref<64x128xf32, #tpu.memory_space<vmem>>, vector<1x16xf32>,
        %swap3A_253 = arith.index_cast %select_n3A : i32 to index
        %swap3A_254 = arith.index_cast %multiple_of3A : i32 to index
        %swap3A_255 = tpu.vector_load %arg19[%swap3A_253, %swap3A_254] {strides = array<i32>} : memref<64x128xf32, #tpu.memory_space<vmem>>, vector<1x16xf32>,
        %swap3A_256 = vector.shape_cast %swap3A_255 : vector<1x16xf32> to vector<16xf32>
        %swap3A_257 = vector.shape_cast %scan3A_206#2 : vector<16xf32> to vector<1x16xf32>
        tpu.vector_store %arg19[%swap3A_253, %swap3A_254], %swap3A_257 {strides = array<i32>} : memref<64x128xf32, #tpu.memory_space<vmem>>, vector<1x16xf32>,
        %scan3A_258 = arith.constant 0 : i32
        scf.yield %scan3A_258 : i32
      }
      %scan3A_147 = arith.constant 8 : i32
      %add3A_148 = arith.constant 4 : i32
      %add3A_149 = arith.addi %add3A_127, %add3A_148 : i32
      %lt3A_150 = arith.constant 64 : i32
      %lt3A_151 = arith.cmpi slt, %add3A_149, %lt3A_150 : i32
      %convert_element_type3A_152 = arith.extui %lt3A_151 : i1 to i32
      %cond3A_153 = arith.constant 0 : i32
      %cond3A_154 = arith.cmpi ne, %convert_element_type3A_152, %cond3A_153 : i32
      scf.if %cond3A_154 {
        %add3A_199 = arith.constant 4 : i32
        %add3A_200 = arith.addi %add3A_127, %add3A_199 : i32
        %mul3A_201 = arith.constant 8 : i32
        %mul3A_202 = arith.muli %add3A_200, %mul3A_201 : i32
        %add3A_203 = arith.addi %mul3A_2, %mul3A_202 : i32
        %dma_start3A_204 = arith.constant 0 : i32
        %dma_start3A_205 = tpu.memref_slice %arg2[%add3A_203, %dma_start3A_204] : memref<16384x1024xf32, #tpu.memory_space<hbm>> -> memref<8x1024xf32, #tpu.memory_space<hbm>>
        %dma_start3A_206 = arith.constant 0 : i32
        %dma_start3A_207 = tpu.memref_slice %arg2[%add3A_203, %dma_start3A_206] : memref<16384x1024xf32, #tpu.memory_space<hbm>> -> memref<8x1024xf32, #tpu.memory_space<hbm>>
        tpu.enqueue_dma source(%dma_start3A_207 : memref<8x1024xf32, #tpu.memory_space<hbm>>) target(%arg11 : memref<8x1024xf32, #tpu.memory_space<vmem>>) target_semaphore(%arg22 : memref<!tpu.dma_semaphore, #tpu.memory_space<semaphore_mem>>)
      } else {
      }
      %add3A_155 = arith.constant 4 : i32
      %add3A_156 = arith.addi %add3A_127, %add3A_155 : i32
      %lt3A_157 = arith.constant 64 : i32
      %lt3A_158 = arith.cmpi slt, %add3A_156, %lt3A_157 : i32
      %convert_element_type3A_159 = arith.extui %lt3A_158 : i1 to i32
      %cond3A_160 = arith.constant 0 : i32
      %cond3A_161 = arith.cmpi ne, %convert_element_type3A_159, %cond3A_160 : i32
      scf.if %cond3A_161 {
        %add3A_199 = arith.constant 4 : i32
        %add3A_200 = arith.addi %add3A_127, %add3A_199 : i32
        %mul3A_201 = arith.constant 8 : i32
        %mul3A_202 = arith.muli %add3A_200, %mul3A_201 : i32
        %dma_start3A_203 = tpu.memref_slice %arg8[%mul3A_202] : memref<512xi32, #tpu.memory_space<vmem>> -> memref<8xi32, #tpu.memory_space<vmem>>
        %dma_start3A_204 = arith.constant 0 : i32
        %dma_start3A_205 = arith.constant 0 : i32
        %dma_start3A_206 = tpu.memref_slice %arg4[%dma_start3A_204, %dma_start3A_205] : memref<10000x1024xf32, #tpu.memory_space<hbm>> -> memref<10000x1024xf32, #tpu.memory_space<hbm>>
        tpu.enqueue_indirect_dma source(%dma_start3A_206 : memref<10000x1024xf32, #tpu.memory_space<hbm>>) target(%arg15 : memref<8x1024xf32, #tpu.memory_space<vmem>>) offsets(%dma_start3A_203 : memref<8xi32, #tpu.memory_space<vmem>>) semaphore(%arg26 : memref<!tpu.dma_semaphore, #tpu.memory_space<semaphore_mem>>)
      } else {
      }
      %add3A_162 = arith.constant 3 : i32
      %add3A_163 = arith.addi %mul3A_57, %add3A_162 : i32
      %mul3A_164 = arith.constant 8 : i32
      %mul3A_165 = arith.muli %add3A_163, %mul3A_164 : i32
      %add3A_166 = arith.addi %mul3A_2, %mul3A_165 : i32
      %dma_wait3A_167 = arith.constant 0 : i32
      %dma_wait3A_168 = tpu.memref_slice %arg2[%add3A_166, %dma_wait3A_167] : memref<16384x1024xf32, #tpu.memory_space<hbm>> -> memref<8x1024xf32, #tpu.memory_space<hbm>>
      %dma_wait3A_169 = arith.constant 0 : i32
      %dma_wait3A_170 = tpu.memref_slice %arg2[%add3A_166, %dma_wait3A_169] : memref<16384x1024xf32, #tpu.memory_space<hbm>> -> memref<8x1024xf32, #tpu.memory_space<hbm>>
      tpu.wait_dma2 semaphore(%arg23 : memref<!tpu.dma_semaphore, #tpu.memory_space<semaphore_mem>>) src(%dma_wait3A_170 : memref<8x1024xf32, #tpu.memory_space<hbm>>) dst(%arg12 : memref<8x1024xf32, #tpu.memory_space<vmem>>)
      %mul3A_171 = arith.constant 8 : i32
      %mul3A_172 = arith.muli %add3A_163, %mul3A_171 : i32
      %dma_wait3A_173 = tpu.memref_slice %arg8[%mul3A_172] : memref<512xi32, #tpu.memory_space<vmem>> -> memref<8xi32, #tpu.memory_space<vmem>>
      %dma_wait3A_174 = arith.constant 0 : i32
      %dma_wait3A_175 = arith.constant 0 : i32
      %dma_wait3A_176 = tpu.memref_slice %arg4[%dma_wait3A_174, %dma_wait3A_175] : memref<10000x1024xf32, #tpu.memory_space<hbm>> -> memref<10000x1024xf32, #tpu.memory_space<hbm>>
      tpu.wait_indirect_dma semaphore(%arg27 : memref<!tpu.dma_semaphore, #tpu.memory_space<semaphore_mem>>) src(%dma_wait3A_176 : memref<10000x1024xf32, #tpu.memory_space<hbm>>) dst(%arg16 : memref<8x1024xf32, #tpu.memory_space<vmem>>)
      %scan3A_177 = arith.constant 0 : i32
      %scan3A_178 = arith.constant 0 : i32
      %scan3A_179 = arith.constant 8 : i32
      %scan3A_180 = arith.addi %scan3A_178, %scan3A_179 : i32
      %scan3A_181 = arith.constant 1 : i32
      %scan3A_182 = scf.for %scan3A_199 = %scan3A_178 to %scan3A_180 step %scan3A_181 iter_args(%scan3A_200 = %scan3A_177) -> (i32)  : i32 {
        %broadcast_in_dim3A = arith.constant 0.000000e+00 : f32
        %broadcast_in_dim3A_201 = vector.broadcast %broadcast_in_dim3A : f32 to vector<16xf32>
        %scan3A_202 = arith.constant 0 : i32
        %scan3A_203 = arith.constant 64 : i32
        %scan3A_204 = arith.addi %scan3A_202, %scan3A_203 : i32
        %scan3A_205 = arith.constant 8 : i32
        %scan3A_206:3 = scf.for %scan3A_259 = %scan3A_202 to %scan3A_204 step %scan3A_205 iter_args(%scan3A_260 = %broadcast_in_dim3A_201, %scan3A_261 = %broadcast_in_dim3A_201, %scan3A_262 = %broadcast_in_dim3A_201) -> (vector<16xf32>, vector<16xf32>, vector<16xf32>)  : i32 {
          %mul3A_263 = arith.constant 16 : i32
          %mul3A_264 = arith.muli %scan3A_259, %mul3A_263 : i32
          %multiple_of3A_265 = tpu.assume_multiple %mul3A_264, 16 : i32
          %get3A = arith.index_cast %scan3A_199 : i32 to index
          %get3A_266 = arith.index_cast %multiple_of3A_265 : i32 to index
          %get3A_267 = tpu.vector_load %arg12[%get3A, %get3A_266] {strides = array<i32>} : memref<8x1024xf32, #tpu.memory_space<vmem>>, vector<1x16xf32>,
          %get3A_268 = vector.shape_cast %get3A_267 : vector<1x16xf32> to vector<16xf32>
          %get3A_269 = arith.index_cast %scan3A_199 : i32 to index
          %get3A_270 = arith.index_cast %multiple_of3A_265 : i32 to index
          %get3A_271 = tpu.vector_load %arg16[%get3A_269, %get3A_270] {strides = array<i32>} : memref<8x1024xf32, #tpu.memory_space<vmem>>, vector<1x16xf32>,
          %get3A_272 = vector.shape_cast %get3A_271 : vector<1x16xf32> to vector<16xf32>
          %mul3A_273 = arith.mulf %get3A_268, %get3A_268 : vector<16xf32>
          %add3A_274 = arith.addf %scan3A_260, %mul3A_273 : vector<16xf32>
          %mul3A_275 = arith.mulf %get3A_268, %get3A_272 : vector<16xf32>
          %add3A_276 = arith.addf %scan3A_261, %mul3A_275 : vector<16xf32>
          %mul3A_277 = arith.mulf %get3A_272, %get3A_272 : vector<16xf32>
          %add3A_278 = arith.addf %scan3A_262, %mul3A_277 : vector<16xf32>
          %scan3A_279 = arith.constant 1 : i32
          %scan3A_280 = arith.addi %scan3A_259, %scan3A_279 : i32
          %mul3A_281 = arith.constant 16 : i32
          %mul3A_282 = arith.muli %scan3A_280, %mul3A_281 : i32
          %multiple_of3A_283 = tpu.assume_multiple %mul3A_282, 16 : i32
          %get3A_284 = arith.index_cast %scan3A_199 : i32 to index
          %get3A_285 = arith.index_cast %multiple_of3A_283 : i32 to index
          %get3A_286 = tpu.vector_load %arg12[%get3A_284, %get3A_285] {strides = array<i32>} : memref<8x1024xf32, #tpu.memory_space<vmem>>, vector<1x16xf32>,
          %get3A_287 = vector.shape_cast %get3A_286 : vector<1x16xf32> to vector<16xf32>
          %get3A_288 = arith.index_cast %scan3A_199 : i32 to index
          %get3A_289 = arith.index_cast %multiple_of3A_283 : i32 to index
          %get3A_290 = tpu.vector_load %arg16[%get3A_288, %get3A_289] {strides = array<i32>} : memref<8x1024xf32, #tpu.memory_space<vmem>>, vector<1x16xf32>,
          %get3A_291 = vector.shape_cast %get3A_290 : vector<1x16xf32> to vector<16xf32>
          %mul3A_292 = arith.mulf %get3A_287, %get3A_287 : vector<16xf32>
          %add3A_293 = arith.addf %add3A_274, %mul3A_292 : vector<16xf32>
          %mul3A_294 = arith.mulf %get3A_287, %get3A_291 : vector<16xf32>
          %add3A_295 = arith.addf %add3A_276, %mul3A_294 : vector<16xf32>
          %mul3A_296 = arith.mulf %get3A_291, %get3A_291 : vector<16xf32>
          %add3A_297 = arith.addf %add3A_278, %mul3A_296 : vector<16xf32>
          %scan3A_298 = arith.constant 2 : i32
          %scan3A_299 = arith.addi %scan3A_259, %scan3A_298 : i32
          %mul3A_300 = arith.constant 16 : i32
          %mul3A_301 = arith.muli %scan3A_299, %mul3A_300 : i32
          %multiple_of3A_302 = tpu.assume_multiple %mul3A_301, 16 : i32
          %get3A_303 = arith.index_cast %scan3A_199 : i32 to index
          %get3A_304 = arith.index_cast %multiple_of3A_302 : i32 to index
          %get3A_305 = tpu.vector_load %arg12[%get3A_303, %get3A_304] {strides = array<i32>} : memref<8x1024xf32, #tpu.memory_space<vmem>>, vector<1x16xf32>,
          %get3A_306 = vector.shape_cast %get3A_305 : vector<1x16xf32> to vector<16xf32>
          %get3A_307 = arith.index_cast %scan3A_199 : i32 to index
          %get3A_308 = arith.index_cast %multiple_of3A_302 : i32 to index
          %get3A_309 = tpu.vector_load %arg16[%get3A_307, %get3A_308] {strides = array<i32>} : memref<8x1024xf32, #tpu.memory_space<vmem>>, vector<1x16xf32>,
          %get3A_310 = vector.shape_cast %get3A_309 : vector<1x16xf32> to vector<16xf32>
          %mul3A_311 = arith.mulf %get3A_306, %get3A_306 : vector<16xf32>
          %add3A_312 = arith.addf %add3A_293, %mul3A_311 : vector<16xf32>
          %mul3A_313 = arith.mulf %get3A_306, %get3A_310 : vector<16xf32>
          %add3A_314 = arith.addf %add3A_295, %mul3A_313 : vector<16xf32>
          %mul3A_315 = arith.mulf %get3A_310, %get3A_310 : vector<16xf32>
          %add3A_316 = arith.addf %add3A_297, %mul3A_315 : vector<16xf32>
          %scan3A_317 = arith.constant 3 : i32
          %scan3A_318 = arith.addi %scan3A_259, %scan3A_317 : i32
          %mul3A_319 = arith.constant 16 : i32
          %mul3A_320 = arith.muli %scan3A_318, %mul3A_319 : i32
          %multiple_of3A_321 = tpu.assume_multiple %mul3A_320, 16 : i32
          %get3A_322 = arith.index_cast %scan3A_199 : i32 to index
          %get3A_323 = arith.index_cast %multiple_of3A_321 : i32 to index
          %get3A_324 = tpu.vector_load %arg12[%get3A_322, %get3A_323] {strides = array<i32>} : memref<8x1024xf32, #tpu.memory_space<vmem>>, vector<1x16xf32>,
          %get3A_325 = vector.shape_cast %get3A_324 : vector<1x16xf32> to vector<16xf32>
          %get3A_326 = arith.index_cast %scan3A_199 : i32 to index
          %get3A_327 = arith.index_cast %multiple_of3A_321 : i32 to index
          %get3A_328 = tpu.vector_load %arg16[%get3A_326, %get3A_327] {strides = array<i32>} : memref<8x1024xf32, #tpu.memory_space<vmem>>, vector<1x16xf32>,
          %get3A_329 = vector.shape_cast %get3A_328 : vector<1x16xf32> to vector<16xf32>
          %mul3A_330 = arith.mulf %get3A_325, %get3A_325 : vector<16xf32>
          %add3A_331 = arith.addf %add3A_312, %mul3A_330 : vector<16xf32>
          %mul3A_332 = arith.mulf %get3A_325, %get3A_329 : vector<16xf32>
          %add3A_333 = arith.addf %add3A_314, %mul3A_332 : vector<16xf32>
          %mul3A_334 = arith.mulf %get3A_329, %get3A_329 : vector<16xf32>
          %add3A_335 = arith.addf %add3A_316, %mul3A_334 : vector<16xf32>
          %scan3A_336 = arith.constant 4 : i32
          %scan3A_337 = arith.addi %scan3A_259, %scan3A_336 : i32
          %mul3A_338 = arith.constant 16 : i32
          %mul3A_339 = arith.muli %scan3A_337, %mul3A_338 : i32
          %multiple_of3A_340 = tpu.assume_multiple %mul3A_339, 16 : i32
          %get3A_341 = arith.index_cast %scan3A_199 : i32 to index
          %get3A_342 = arith.index_cast %multiple_of3A_340 : i32 to index
          %get3A_343 = tpu.vector_load %arg12[%get3A_341, %get3A_342] {strides = array<i32>} : memref<8x1024xf32, #tpu.memory_space<vmem>>, vector<1x16xf32>,
          %get3A_344 = vector.shape_cast %get3A_343 : vector<1x16xf32> to vector<16xf32>
          %get3A_345 = arith.index_cast %scan3A_199 : i32 to index
          %get3A_346 = arith.index_cast %multiple_of3A_340 : i32 to index
          %get3A_347 = tpu.vector_load %arg16[%get3A_345, %get3A_346] {strides = array<i32>} : memref<8x1024xf32, #tpu.memory_space<vmem>>, vector<1x16xf32>,
          %get3A_348 = vector.shape_cast %get3A_347 : vector<1x16xf32> to vector<16xf32>
          %mul3A_349 = arith.mulf %get3A_344, %get3A_344 : vector<16xf32>
          %add3A_350 = arith.addf %add3A_331, %mul3A_349 : vector<16xf32>
          %mul3A_351 = arith.mulf %get3A_344, %get3A_348 : vector<16xf32>
          %add3A_352 = arith.addf %add3A_333, %mul3A_351 : vector<16xf32>
          %mul3A_353 = arith.mulf %get3A_348, %get3A_348 : vector<16xf32>
          %add3A_354 = arith.addf %add3A_335, %mul3A_353 : vector<16xf32>
          %scan3A_355 = arith.constant 5 : i32
          %scan3A_356 = arith.addi %scan3A_259, %scan3A_355 : i32
          %mul3A_357 = arith.constant 16 : i32
          %mul3A_358 = arith.muli %scan3A_356, %mul3A_357 : i32
          %multiple_of3A_359 = tpu.assume_multiple %mul3A_358, 16 : i32
          %get3A_360 = arith.index_cast %scan3A_199 : i32 to index
          %get3A_361 = arith.index_cast %multiple_of3A_359 : i32 to index
          %get3A_362 = tpu.vector_load %arg12[%get3A_360, %get3A_361] {strides = array<i32>} : memref<8x1024xf32, #tpu.memory_space<vmem>>, vector<1x16xf32>,
          %get3A_363 = vector.shape_cast %get3A_362 : vector<1x16xf32> to vector<16xf32>
          %get3A_364 = arith.index_cast %scan3A_199 : i32 to index
          %get3A_365 = arith.index_cast %multiple_of3A_359 : i32 to index
          %get3A_366 = tpu.vector_load %arg16[%get3A_364, %get3A_365] {strides = array<i32>} : memref<8x1024xf32, #tpu.memory_space<vmem>>, vector<1x16xf32>,
          %get3A_367 = vector.shape_cast %get3A_366 : vector<1x16xf32> to vector<16xf32>
          %mul3A_368 = arith.mulf %get3A_363, %get3A_363 : vector<16xf32>
          %add3A_369 = arith.addf %add3A_350, %mul3A_368 : vector<16xf32>
          %mul3A_370 = arith.mulf %get3A_363, %get3A_367 : vector<16xf32>
          %add3A_371 = arith.addf %add3A_352, %mul3A_370 : vector<16xf32>
          %mul3A_372 = arith.mulf %get3A_367, %get3A_367 : vector<16xf32>
          %add3A_373 = arith.addf %add3A_354, %mul3A_372 : vector<16xf32>
          %scan3A_374 = arith.constant 6 : i32
          %scan3A_375 = arith.addi %scan3A_259, %scan3A_374 : i32
          %mul3A_376 = arith.constant 16 : i32
          %mul3A_377 = arith.muli %scan3A_375, %mul3A_376 : i32
          %multiple_of3A_378 = tpu.assume_multiple %mul3A_377, 16 : i32
          %get3A_379 = arith.index_cast %scan3A_199 : i32 to index
          %get3A_380 = arith.index_cast %multiple_of3A_378 : i32 to index
          %get3A_381 = tpu.vector_load %arg12[%get3A_379, %get3A_380] {strides = array<i32>} : memref<8x1024xf32, #tpu.memory_space<vmem>>, vector<1x16xf32>,
          %get3A_382 = vector.shape_cast %get3A_381 : vector<1x16xf32> to vector<16xf32>
          %get3A_383 = arith.index_cast %scan3A_199 : i32 to index
          %get3A_384 = arith.index_cast %multiple_of3A_378 : i32 to index
          %get3A_385 = tpu.vector_load %arg16[%get3A_383, %get3A_384] {strides = array<i32>} : memref<8x1024xf32, #tpu.memory_space<vmem>>, vector<1x16xf32>,
          %get3A_386 = vector.shape_cast %get3A_385 : vector<1x16xf32> to vector<16xf32>
          %mul3A_387 = arith.mulf %get3A_382, %get3A_382 : vector<16xf32>
          %add3A_388 = arith.addf %add3A_369, %mul3A_387 : vector<16xf32>
          %mul3A_389 = arith.mulf %get3A_382, %get3A_386 : vector<16xf32>
          %add3A_390 = arith.addf %add3A_371, %mul3A_389 : vector<16xf32>
          %mul3A_391 = arith.mulf %get3A_386, %get3A_386 : vector<16xf32>
          %add3A_392 = arith.addf %add3A_373, %mul3A_391 : vector<16xf32>
          %scan3A_393 = arith.constant 7 : i32
          %scan3A_394 = arith.addi %scan3A_259, %scan3A_393 : i32
          %mul3A_395 = arith.constant 16 : i32
          %mul3A_396 = arith.muli %scan3A_394, %mul3A_395 : i32
          %multiple_of3A_397 = tpu.assume_multiple %mul3A_396, 16 : i32
          %get3A_398 = arith.index_cast %scan3A_199 : i32 to index
          %get3A_399 = arith.index_cast %multiple_of3A_397 : i32 to index
          %get3A_400 = tpu.vector_load %arg12[%get3A_398, %get3A_399] {strides = array<i32>} : memref<8x1024xf32, #tpu.memory_space<vmem>>, vector<1x16xf32>,
          %get3A_401 = vector.shape_cast %get3A_400 : vector<1x16xf32> to vector<16xf32>
          %get3A_402 = arith.index_cast %scan3A_199 : i32 to index
          %get3A_403 = arith.index_cast %multiple_of3A_397 : i32 to index
          %get3A_404 = tpu.vector_load %arg16[%get3A_402, %get3A_403] {strides = array<i32>} : memref<8x1024xf32, #tpu.memory_space<vmem>>, vector<1x16xf32>,
          %get3A_405 = vector.shape_cast %get3A_404 : vector<1x16xf32> to vector<16xf32>
          %mul3A_406 = arith.mulf %get3A_401, %get3A_401 : vector<16xf32>
          %add3A_407 = arith.addf %add3A_388, %mul3A_406 : vector<16xf32>
          %mul3A_408 = arith.mulf %get3A_401, %get3A_405 : vector<16xf32>
          %add3A_409 = arith.addf %add3A_390, %mul3A_408 : vector<16xf32>
          %mul3A_410 = arith.mulf %get3A_405, %get3A_405 : vector<16xf32>
          %add3A_411 = arith.addf %add3A_392, %mul3A_410 : vector<16xf32>
          scf.yield %add3A_407, %add3A_409, %add3A_411 : vector<16xf32>, vector<16xf32>, vector<16xf32>
        }
        %scan3A_207 = arith.constant 64 : i32
        %mul3A_208 = arith.constant 8 : i32
        %mul3A_209 = arith.muli %add3A_163, %mul3A_208 : i32
        %add3A_210 = arith.addi %mul3A_209, %scan3A_199 : i32
        %mul3A_211 = arith.constant 16 : i32
        %mul3A_212 = arith.muli %add3A_210, %mul3A_211 : i32
        %jit3A = arith.constant 128 : i32
        %div3A = arith.divsi %mul3A_212, %jit3A : i32
        %sign3A = arith.constant 0 : i32
        %sign3A_213 = arith.cmpi sgt, %mul3A_212, %sign3A : i32
        %sign3A_214 = arith.extui %sign3A_213 : i1 to i32
        %sign3A_215 = arith.constant 0 : i32
        %sign3A_216 = arith.cmpi slt, %mul3A_212, %sign3A_215 : i32
        %sign3A_217 = arith.extui %sign3A_216 : i1 to i32
        %sign3A_218 = arith.subi %sign3A_214, %sign3A_217 : i32
        %sign3A_219 = arith.constant 0 : i32
        %sign3A_220 = arith.cmpi sgt, %jit3A, %sign3A_219 : i32
        %sign3A_221 = arith.extui %sign3A_220 : i1 to i32
        %sign3A_222 = arith.constant 0 : i32
        %sign3A_223 = arith.cmpi slt, %jit3A, %sign3A_222 : i32
        %sign3A_224 = arith.extui %sign3A_223 : i1 to i32
        %sign3A_225 = arith.subi %sign3A_221, %sign3A_224 : i32
        %ne3A = arith.cmpi ne, %sign3A_218, %sign3A_225 : i32
        %rem3A = arith.remsi %mul3A_212, %jit3A : i32
        %ne3A_226 = arith.constant 0 : i32
        %ne3A_227 = arith.cmpi ne, %rem3A, %ne3A_226 : i32
        %and3A = arith.andi %ne3A, %ne3A_227 : i1
        %sub3A = arith.constant 1 : i32
        %sub3A_228 = arith.subi %div3A, %sub3A : i32
        %select_n3A = arith.select %and3A, %sub3A_228, %div3A : i32
        %jit3A_229 = arith.constant 128 : i32
        %eq3A = arith.constant 0 : i32
        %eq3A_230 = arith.cmpi eq, %jit3A_229, %eq3A : i32
        %jit3A_231 = arith.constant 1 : i32
        %select_n3A_232 = arith.select %eq3A_230, %jit3A_231, %jit3A_229 : i32
        %rem3A_233 = arith.remsi %mul3A_212, %select_n3A_232 : i32
        %ne3A_234 = arith.constant 0 : i32
        %ne3A_235 = arith.cmpi ne, %rem3A_233, %ne3A_234 : i32
        %lt3A_236 = arith.constant 0 : i32
        %lt3A_237 = arith.cmpi slt, %rem3A_233, %lt3A_236 : i32
        %lt3A_238 = arith.constant 0 : i32
        %lt3A_239 = arith.cmpi slt, %select_n3A_232, %lt3A_238 : i32
        %ne3A_240 = arith.xori %lt3A_237, %lt3A_239 : i1
        %and3A_241 = arith.andi %ne3A_240, %ne3A_235 : i1
        %add3A_242 = arith.addi %rem3A_233, %select_n3A_232 : i32
        %select_n3A_243 = arith.select %and3A_241, %add3A_242, %rem3A_233 : i32
        %multiple_of3A = tpu.assume_multiple %select_n3A_243, 16 : i32
        %swap3A = arith.index_cast %select_n3A : i32 to index
        %swap3A_244 = arith.index_cast %multiple_of3A : i32 to index
        %swap3A_245 = tpu.vector_load %arg17[%swap3A, %swap3A_244] {strides = array<i32>} : memref<64x128xf32, #tpu.memory_space<vmem>>, vector<1x16xf32>,
        %swap3A_246 = vector.shape_cast %swap3A_245 : vector<1x16xf32> to vector<16xf32>
        %swap3A_247 = vector.shape_cast %scan3A_206#0 : vector<16xf32> to vector<1x16xf32>
        tpu.vector_store %arg17[%swap3A, %swap3A_244], %swap3A_247 {strides = array<i32>} : memref<64x128xf32, #tpu.memory_space<vmem>>, vector<1x16xf32>,
        %swap3A_248 = arith.index_cast %select_n3A : i32 to index
        %swap3A_249 = arith.index_cast %multiple_of3A : i32 to index
        %swap3A_250 = tpu.vector_load %arg18[%swap3A_248, %swap3A_249] {strides = array<i32>} : memref<64x128xf32, #tpu.memory_space<vmem>>, vector<1x16xf32>,
        %swap3A_251 = vector.shape_cast %swap3A_250 : vector<1x16xf32> to vector<16xf32>
        %swap3A_252 = vector.shape_cast %scan3A_206#1 : vector<16xf32> to vector<1x16xf32>
        tpu.vector_store %arg18[%swap3A_248, %swap3A_249], %swap3A_252 {strides = array<i32>} : memref<64x128xf32, #tpu.memory_space<vmem>>, vector<1x16xf32>,
        %swap3A_253 = arith.index_cast %select_n3A : i32 to index
        %swap3A_254 = arith.index_cast %multiple_of3A : i32 to index
        %swap3A_255 = tpu.vector_load %arg19[%swap3A_253, %swap3A_254] {strides = array<i32>} : memref<64x128xf32, #tpu.memory_space<vmem>>, vector<1x16xf32>,
        %swap3A_256 = vector.shape_cast %swap3A_255 : vector<1x16xf32> to vector<16xf32>
        %swap3A_257 = vector.shape_cast %scan3A_206#2 : vector<16xf32> to vector<1x16xf32>
        tpu.vector_store %arg19[%swap3A_253, %swap3A_254], %swap3A_257 {strides = array<i32>} : memref<64x128xf32, #tpu.memory_space<vmem>>, vector<1x16xf32>,
        %scan3A_258 = arith.constant 0 : i32
        scf.yield %scan3A_258 : i32
      }
      %scan3A_183 = arith.constant 8 : i32
      %add3A_184 = arith.constant 4 : i32
      %add3A_185 = arith.addi %add3A_163, %add3A_184 : i32
      %lt3A_186 = arith.constant 64 : i32
      %lt3A_187 = arith.cmpi slt, %add3A_185, %lt3A_186 : i32
      %convert_element_type3A_188 = arith.extui %lt3A_187 : i1 to i32
      %cond3A_189 = arith.constant 0 : i32
      %cond3A_190 = arith.cmpi ne, %convert_element_type3A_188, %cond3A_189 : i32
      scf.if %cond3A_190 {
        %add3A_199 = arith.constant 4 : i32
        %add3A_200 = arith.addi %add3A_163, %add3A_199 : i32
        %mul3A_201 = arith.constant 8 : i32
        %mul3A_202 = arith.muli %add3A_200, %mul3A_201 : i32
        %add3A_203 = arith.addi %mul3A_2, %mul3A_202 : i32
        %dma_start3A_204 = arith.constant 0 : i32
        %dma_start3A_205 = tpu.memref_slice %arg2[%add3A_203, %dma_start3A_204] : memref<16384x1024xf32, #tpu.memory_space<hbm>> -> memref<8x1024xf32, #tpu.memory_space<hbm>>
        %dma_start3A_206 = arith.constant 0 : i32
        %dma_start3A_207 = tpu.memref_slice %arg2[%add3A_203, %dma_start3A_206] : memref<16384x1024xf32, #tpu.memory_space<hbm>> -> memref<8x1024xf32, #tpu.memory_space<hbm>>
        tpu.enqueue_dma source(%dma_start3A_207 : memref<8x1024xf32, #tpu.memory_space<hbm>>) target(%arg12 : memref<8x1024xf32, #tpu.memory_space<vmem>>) target_semaphore(%arg23 : memref<!tpu.dma_semaphore, #tpu.memory_space<semaphore_mem>>)
      } else {
      }
      %add3A_191 = arith.constant 4 : i32
      %add3A_192 = arith.addi %add3A_163, %add3A_191 : i32
      %lt3A_193 = arith.constant 64 : i32
      %lt3A_194 = arith.cmpi slt, %add3A_192, %lt3A_193 : i32
      %convert_element_type3A_195 = arith.extui %lt3A_194 : i1 to i32
      %cond3A_196 = arith.constant 0 : i32
      %cond3A_197 = arith.cmpi ne, %convert_element_type3A_195, %cond3A_196 : i32
      scf.if %cond3A_197 {
        %add3A_199 = arith.constant 4 : i32
        %add3A_200 = arith.addi %add3A_163, %add3A_199 : i32
        %mul3A_201 = arith.constant 8 : i32
        %mul3A_202 = arith.muli %add3A_200, %mul3A_201 : i32
        %dma_start3A_203 = tpu.memref_slice %arg8[%mul3A_202] : memref<512xi32, #tpu.memory_space<vmem>> -> memref<8xi32, #tpu.memory_space<vmem>>
        %dma_start3A_204 = arith.constant 0 : i32
        %dma_start3A_205 = arith.constant 0 : i32
        %dma_start3A_206 = tpu.memref_slice %arg4[%dma_start3A_204, %dma_start3A_205] : memref<10000x1024xf32, #tpu.memory_space<hbm>> -> memref<10000x1024xf32, #tpu.memory_space<hbm>>
        tpu.enqueue_indirect_dma source(%dma_start3A_206 : memref<10000x1024xf32, #tpu.memory_space<hbm>>) target(%arg16 : memref<8x1024xf32, #tpu.memory_space<vmem>>) offsets(%dma_start3A_203 : memref<8xi32, #tpu.memory_space<vmem>>) semaphore(%arg27 : memref<!tpu.dma_semaphore, #tpu.memory_space<semaphore_mem>>)
      } else {
      }
      %scan3A_198 = arith.constant 0 : i32
      scf.yield %scan3A_198 : i32
    }
    %scan3A_51 = arith.constant 16 : i32
    %mul3A_52 = arith.constant 64 : i32
    %mul3A_53 = arith.muli %add3A, %mul3A_52 : i32
    "tpu.region"() ({
      %run_scoped3A = tpu.sem_alloc : memref<!tpu.dma_semaphore, #tpu.memory_space<semaphore_mem>>
      %dma_start3A_54 = arith.constant 0 : i32
      %dma_start3A_55 = tpu.memref_slice %arg5[%mul3A_53, %dma_start3A_54] : memref<2048x128xf32, #tpu.memory_space<hbm>> -> memref<64x128xf32, #tpu.memory_space<hbm>>
      %dma_start3A_56 = arith.constant 0 : i32
      %dma_start3A_57 = tpu.memref_slice %arg5[%mul3A_53, %dma_start3A_56] : memref<2048x128xf32, #tpu.memory_space<hbm>> -> memref<64x128xf32, #tpu.memory_space<hbm>>
      tpu.enqueue_dma source(%arg17 : memref<64x128xf32, #tpu.memory_space<vmem>>) target(%dma_start3A_57 : memref<64x128xf32, #tpu.memory_space<hbm>>) target_semaphore(%run_scoped3A : memref<!tpu.dma_semaphore, #tpu.memory_space<semaphore_mem>>)
      %dma_wait3A = arith.constant 0 : i32
      %dma_wait3A_58 = tpu.memref_slice %arg5[%mul3A_53, %dma_wait3A] : memref<2048x128xf32, #tpu.memory_space<hbm>> -> memref<64x128xf32, #tpu.memory_space<hbm>>
      %dma_wait3A_59 = arith.constant 0 : i32
      %dma_wait3A_60 = tpu.memref_slice %arg5[%mul3A_53, %dma_wait3A_59] : memref<2048x128xf32, #tpu.memory_space<hbm>> -> memref<64x128xf32, #tpu.memory_space<hbm>>
      tpu.wait_dma2 semaphore(%run_scoped3A : memref<!tpu.dma_semaphore, #tpu.memory_space<semaphore_mem>>) src(%arg17 : memref<64x128xf32, #tpu.memory_space<vmem>>) dst(%dma_wait3A_60 : memref<64x128xf32, #tpu.memory_space<hbm>>)
      tpu.yield
    }) : () -> ()
    "tpu.region"() ({
      %run_scoped3A = tpu.sem_alloc : memref<!tpu.dma_semaphore, #tpu.memory_space<semaphore_mem>>
      %dma_start3A_54 = arith.constant 0 : i32
      %dma_start3A_55 = tpu.memref_slice %arg6[%mul3A_53, %dma_start3A_54] : memref<2048x128xf32, #tpu.memory_space<hbm>> -> memref<64x128xf32, #tpu.memory_space<hbm>>
      %dma_start3A_56 = arith.constant 0 : i32
      %dma_start3A_57 = tpu.memref_slice %arg6[%mul3A_53, %dma_start3A_56] : memref<2048x128xf32, #tpu.memory_space<hbm>> -> memref<64x128xf32, #tpu.memory_space<hbm>>
      tpu.enqueue_dma source(%arg18 : memref<64x128xf32, #tpu.memory_space<vmem>>) target(%dma_start3A_57 : memref<64x128xf32, #tpu.memory_space<hbm>>) target_semaphore(%run_scoped3A : memref<!tpu.dma_semaphore, #tpu.memory_space<semaphore_mem>>)
      %dma_wait3A = arith.constant 0 : i32
      %dma_wait3A_58 = tpu.memref_slice %arg6[%mul3A_53, %dma_wait3A] : memref<2048x128xf32, #tpu.memory_space<hbm>> -> memref<64x128xf32, #tpu.memory_space<hbm>>
      %dma_wait3A_59 = arith.constant 0 : i32
      %dma_wait3A_60 = tpu.memref_slice %arg6[%mul3A_53, %dma_wait3A_59] : memref<2048x128xf32, #tpu.memory_space<hbm>> -> memref<64x128xf32, #tpu.memory_space<hbm>>
      tpu.wait_dma2 semaphore(%run_scoped3A : memref<!tpu.dma_semaphore, #tpu.memory_space<semaphore_mem>>) src(%arg18 : memref<64x128xf32, #tpu.memory_space<vmem>>) dst(%dma_wait3A_60 : memref<64x128xf32, #tpu.memory_space<hbm>>)
      tpu.yield
    }) : () -> ()
    "tpu.region"() ({
      %run_scoped3A = tpu.sem_alloc : memref<!tpu.dma_semaphore, #tpu.memory_space<semaphore_mem>>
      %dma_start3A_54 = arith.constant 0 : i32
      %dma_start3A_55 = tpu.memref_slice %arg7[%mul3A_53, %dma_start3A_54] : memref<2048x128xf32, #tpu.memory_space<hbm>> -> memref<64x128xf32, #tpu.memory_space<hbm>>
      %dma_start3A_56 = arith.constant 0 : i32
      %dma_start3A_57 = tpu.memref_slice %arg7[%mul3A_53, %dma_start3A_56] : memref<2048x128xf32, #tpu.memory_space<hbm>> -> memref<64x128xf32, #tpu.memory_space<hbm>>
      tpu.enqueue_dma source(%arg19 : memref<64x128xf32, #tpu.memory_space<vmem>>) target(%dma_start3A_57 : memref<64x128xf32, #tpu.memory_space<hbm>>) target_semaphore(%run_scoped3A : memref<!tpu.dma_semaphore, #tpu.memory_space<semaphore_mem>>)
      %dma_wait3A = arith.constant 0 : i32
      %dma_wait3A_58 = tpu.memref_slice %arg7[%mul3A_53, %dma_wait3A] : memref<2048x128xf32, #tpu.memory_space<hbm>> -> memref<64x128xf32, #tpu.memory_space<hbm>>
      %dma_wait3A_59 = arith.constant 0 : i32
      %dma_wait3A_60 = tpu.memref_slice %arg7[%mul3A_53, %dma_wait3A_59] : memref<2048x128xf32, #tpu.memory_space<hbm>> -> memref<64x128xf32, #tpu.memory_space<hbm>>
      tpu.wait_dma2 semaphore(%run_scoped3A : memref<!tpu.dma_semaphore, #tpu.memory_space<semaphore_mem>>) src(%arg19 : memref<64x128xf32, #tpu.memory_space<vmem>>) dst(%dma_wait3A_60 : memref<64x128xf32, #tpu.memory_space<hbm>>)
      tpu.yield
    }) : () -> ()
    return
  }
}

module attributes {stable_mosaic.version = 14 : i64} {
  func.func @body(%arg0: i32, %arg1: memref<1024x128xf32, #tpu.memory_space<vmem>>, %arg2: memref<1024x128xf32, #tpu.memory_space<vmem>>, %arg3: memref<1024x128xf32, #tpu.memory_space<vmem>>, %arg4: memref<1x1xf32, #tpu.memory_space<vmem>>, %arg5: memref<1x1xf32, #tpu.memory_space<smem>>) attributes {dimension_semantics = [#tpu.dimension_semantics<arbitrary>], iteration_bounds = array<i64: 2>, scalar_prefetch = 0 : i64, scratch_operands = 1 : i64, tpu.core_type = #tpu.core_type<tc>, window_params = [{transform_indices = @transform_0, window_bounds = array<i64: 1024, 128>}, {transform_indices = @transform_1, window_bounds = array<i64: 1024, 128>}, {transform_indices = @transform_2, window_bounds = array<i64: 1024, 128>}, {pipeline_mode = #tpu.pipeline_mode<synchronous>, transform_indices = @transform_3, window_bounds = array<i64: 1, 1>}]} {
    %eq3A = arith.constant 0 : i32
    %eq3A_0 = arith.cmpi eq, %arg0, %eq3A : i32
    %convert_element_type3A = arith.extui %eq3A_0 : i1 to i32
    %cond3A = arith.constant 0 : i32
    %cond3A_1 = arith.cmpi ne, %convert_element_type3A, %cond3A : i32
    scf.if %cond3A_1 {
      %swap3A_65 = arith.constant 0.000000e+00 : f32
      %swap3A_66 = arith.constant 0 : index
      %swap3A_67 = arith.constant 0 : index
      %swap3A_68 = memref.load %arg5[%swap3A_66, %swap3A_67] : memref<1x1xf32, #tpu.memory_space<smem>>
      memref.store %swap3A_65, %arg5[%swap3A_66, %swap3A_67] : memref<1x1xf32, #tpu.memory_space<smem>>
    } else {
    }
    %iota3A = tpu.iota {dimensions = array<i32: 0>} : vector<128x8xi32>
    %iota3A_2 = tpu.iota {dimensions = array<i32: 1>} : vector<128x8xi32>
    %jit3A = arith.constant 16 : i32
    %div3A = vector.broadcast %jit3A : i32 to vector<128x8xi32>
    %div3A_3 = arith.divsi %iota3A, %div3A : vector<128x8xi32>
    %sign3A = arith.constant 0 : i32
    %sign3A_4 = vector.broadcast %sign3A : i32 to vector<128x8xi32>
    %sign3A_5 = arith.cmpi sgt, %iota3A, %sign3A_4 : vector<128x8xi32>
    %sign3A_6 = arith.extui %sign3A_5 : vector<128x8xi1> to vector<128x8xi32>
    %sign3A_7 = arith.constant 0 : i32
    %sign3A_8 = vector.broadcast %sign3A_7 : i32 to vector<128x8xi32>
    %sign3A_9 = arith.cmpi slt, %iota3A, %sign3A_8 : vector<128x8xi32>
    %sign3A_10 = arith.extui %sign3A_9 : vector<128x8xi1> to vector<128x8xi32>
    %sign3A_11 = arith.subi %sign3A_6, %sign3A_10 : vector<128x8xi32>
    %sign3A_12 = arith.constant 0 : i32
    %sign3A_13 = arith.cmpi sgt, %jit3A, %sign3A_12 : i32
    %sign3A_14 = arith.extui %sign3A_13 : i1 to i32
    %sign3A_15 = arith.constant 0 : i32
    %sign3A_16 = arith.cmpi slt, %jit3A, %sign3A_15 : i32
    %sign3A_17 = arith.extui %sign3A_16 : i1 to i32
    %sign3A_18 = arith.subi %sign3A_14, %sign3A_17 : i32
    %ne3A = vector.broadcast %sign3A_18 : i32 to vector<128x8xi32>
    %ne3A_19 = arith.cmpi ne, %sign3A_11, %ne3A : vector<128x8xi32>
    %rem3A = vector.broadcast %jit3A : i32 to vector<128x8xi32>
    %rem3A_20 = arith.remsi %iota3A, %rem3A : vector<128x8xi32>
    %ne3A_21 = arith.constant 0 : i32
    %ne3A_22 = vector.broadcast %ne3A_21 : i32 to vector<128x8xi32>
    %ne3A_23 = arith.cmpi ne, %rem3A_20, %ne3A_22 : vector<128x8xi32>
    %and3A = arith.andi %ne3A_19, %ne3A_23 : vector<128x8xi1>
    %sub3A = arith.constant 1 : i32
    %sub3A_24 = vector.broadcast %sub3A : i32 to vector<128x8xi32>
    %sub3A_25 = arith.subi %div3A_3, %sub3A_24 : vector<128x8xi32>
    %select_n3A = arith.select %and3A, %sub3A_25, %div3A_3 : vector<128x8xi1>, vector<128x8xi32>
    %eq3A_26 = arith.cmpi eq, %select_n3A, %iota3A_2 : vector<128x8xi32>
    %convert_element_type3A_27 = arith.extui %eq3A_26 : vector<128x8xi1> to vector<128x8xi32>
    %convert_element_type3A_28 = arith.sitofp %convert_element_type3A_27 : vector<128x8xi32> to vector<128x8xf32>
    %get3A = arith.constant 0 : index
    %get3A_29 = arith.constant 0 : index
    %get3A_30 = vector.load %arg1[%get3A, %get3A_29] : memref<1024x128xf32, #tpu.memory_space<vmem>>, vector<1024x128xf32>
    %dot_general3A = arith.constant dense<0.000000e+00> : vector<1024x8xf32>
    %dot_general3A_31 = tpu.matmul %get3A_30, %convert_element_type3A_28, %dot_general3A {dimension_numbers = #tpu.dot_dimension_numbers<[1], [0], [0], [1], [0, 0, 1, 1], [], []>, transpose_lhs_hint = false} : vector<1024x128xf32>, vector<128x8xf32>, vector<1024x8xf32> -> vector<1024x8xf32>
    %get3A_32 = arith.constant 0 : index
    %get3A_33 = arith.constant 0 : index
    %get3A_34 = vector.load %arg2[%get3A_32, %get3A_33] : memref<1024x128xf32, #tpu.memory_space<vmem>>, vector<1024x128xf32>
    %dot_general3A_35 = arith.constant dense<0.000000e+00> : vector<1024x8xf32>
    %dot_general3A_36 = tpu.matmul %get3A_34, %convert_element_type3A_28, %dot_general3A_35 {dimension_numbers = #tpu.dot_dimension_numbers<[1], [0], [0], [1], [0, 0, 1, 1], [], []>, transpose_lhs_hint = false} : vector<1024x128xf32>, vector<128x8xf32>, vector<1024x8xf32> -> vector<1024x8xf32>
    %get3A_37 = arith.constant 0 : index
    %get3A_38 = arith.constant 0 : index
    %get3A_39 = vector.load %arg3[%get3A_37, %get3A_38] : memref<1024x128xf32, #tpu.memory_space<vmem>>, vector<1024x128xf32>
    %dot_general3A_40 = arith.constant dense<0.000000e+00> : vector<1024x8xf32>
    %dot_general3A_41 = tpu.matmul %get3A_39, %convert_element_type3A_28, %dot_general3A_40 {dimension_numbers = #tpu.dot_dimension_numbers<[1], [0], [0], [1], [0, 0, 1, 1], [], []>, transpose_lhs_hint = false} : vector<1024x128xf32>, vector<128x8xf32>, vector<1024x8xf32> -> vector<1024x8xf32>
    %sqrt3A = math.sqrt %dot_general3A_31 : vector<1024x8xf32>
    %max3A = arith.constant 9.99999996E-13 : f32
    %max3A_42 = vector.broadcast %max3A : f32 to vector<1024x8xf32>
    %max3A_43 = arith.maximumf %sqrt3A, %max3A_42 : vector<1024x8xf32>
    %mul3A = arith.mulf %max3A_43, %max3A_43 : vector<1024x8xf32>
    %div3A_44 = arith.divf %dot_general3A_31, %mul3A : vector<1024x8xf32>
    %add3A = arith.addf %div3A_44, %dot_general3A_41 : vector<1024x8xf32>
    %mul3A_45 = arith.constant 2.000000e+00 : f32
    %mul3A_46 = vector.broadcast %mul3A_45 : f32 to vector<1024x8xf32>
    %mul3A_47 = arith.mulf %mul3A_46, %dot_general3A_36 : vector<1024x8xf32>
    %div3A_48 = arith.divf %mul3A_47, %max3A_43 : vector<1024x8xf32>
    %sub3A_49 = arith.subf %add3A, %div3A_48 : vector<1024x8xf32>
    %get3A_50 = arith.constant 0 : index
    %get3A_51 = arith.constant 0 : index
    %get3A_52 = memref.load %arg5[%get3A_50, %get3A_51] : memref<1x1xf32, #tpu.memory_space<smem>>
    %reduce_sum3A = vector.shape_cast %sub3A_49 : vector<1024x8xf32> to vector<1x1024x8xf32>
    %reduce_sum3A_53 = arith.constant dense<0.000000e+00> : vector<1xf32>
    %reduce_sum3A_54 = vector.multi_reduction <add>, %reduce_sum3A, %reduce_sum3A_53 [1, 2] : vector<1x1024x8xf32> to vector<1xf32>
    %reduce_sum3A_55 = vector.shape_cast %reduce_sum3A_54 : vector<1xf32> to vector<1x1x1xf32>
    %reduce_sum3A_56 = vector.extract %reduce_sum3A_55[0, 0, 0] : f32 from vector<1x1x1xf32>
    %add3A_57 = arith.addf %get3A_52, %reduce_sum3A_56 : f32
    %swap3A = arith.constant 0 : index
    %swap3A_58 = arith.constant 0 : index
    %swap3A_59 = memref.load %arg5[%swap3A, %swap3A_58] : memref<1x1xf32, #tpu.memory_space<smem>>
    memref.store %add3A_57, %arg5[%swap3A, %swap3A_58] : memref<1x1xf32, #tpu.memory_space<smem>>
    %eq3A_60 = arith.constant 1 : i32
    %eq3A_61 = arith.cmpi eq, %arg0, %eq3A_60 : i32
    %convert_element_type3A_62 = arith.extui %eq3A_61 : i1 to i32
    %cond3A_63 = arith.constant 0 : i32
    %cond3A_64 = arith.cmpi ne, %convert_element_type3A_62, %cond3A_63 : i32
    scf.if %cond3A_64 {
      %get3A_65 = arith.constant 0 : index
      %get3A_66 = arith.constant 0 : index
      %get3A_67 = memref.load %arg5[%get3A_65, %get3A_66] : memref<1x1xf32, #tpu.memory_space<smem>>
      %div3A_68 = arith.constant 3.276800e+04 : f32
      %div3A_69 = arith.divf %get3A_67, %div3A_68 : f32
      %broadcast_in_dim3A = vector.broadcast %div3A_69 : f32 to vector<1x1xf32>
      %swap3A_70 = arith.constant 0 : index
      %swap3A_71 = arith.constant 0 : index
      %swap3A_72 = vector.load %arg4[%swap3A_70, %swap3A_71] : memref<1x1xf32, #tpu.memory_space<vmem>>, vector<1x1xf32>
      tpu.vector_store %arg4[%swap3A_70, %swap3A_71], %broadcast_in_dim3A {strides = array<i32>} : memref<1x1xf32, #tpu.memory_space<vmem>>, vector<1x1xf32>,
    } else {
    }
    return
  }
  func.func @transform_0(%arg0: i32) -> (i32, i32) {
    %c0_i32 = arith.constant 0 : i32
    %c0_i32_0 = arith.constant 0 : i32
    return %arg0, %c0_i32 : i32, i32
  }
  func.func @transform_1(%arg0: i32) -> (i32, i32) {
    %c0_i32 = arith.constant 0 : i32
    %c0_i32_0 = arith.constant 0 : i32
    return %arg0, %c0_i32 : i32, i32
  }
  func.func @transform_2(%arg0: i32) -> (i32, i32) {
    %c0_i32 = arith.constant 0 : i32
    %c0_i32_0 = arith.constant 0 : i32
    return %arg0, %c0_i32 : i32, i32
  }
  func.func @transform_3(%arg0: i32) -> (i32, i32) {
    %c0_i32 = arith.constant 0 : i32
    %c0_i32_0 = arith.constant 0 : i32
    %c0_i32_1 = arith.constant 0 : i32
    return %c0_i32, %c0_i32_0 : i32, i32
  }
}

</mosaic_0001>

<sc_bundles>
// kernel: kernel.4.cloned.1.call-start
scs
__scs_entry_jumppad:
0x0: {  	(pc) =	sbr.rel $0x88, $3  }
0x1: {  	(tag) =	ssettag $0x0;
	lr =	simm.s32 $0x1  }
0x2: {  	[smem:$0x3F9E] =	sst lr;
	_ =	strace $0xD0000000  }
0x3: {  	_ = 	snop  }
0x4: {  	_ = 	snop  }
0x5: {  	_ = 	snop  }
0x6: {  	_ = 	snop  }
0x7: {  	_ = 	snop  }
__scs_overlays_trampoline_lowered:
0x8: {  	[smem:$0x3FAD] =	sst s0  }
0x9: {  	[smem:$0x3FAE] =	sst s1  }
0xa: {  	[smem:$0x3FAF] =	sst s2  }
0xb: {  	[smem:$0x3FB0] =	sst s3  }
0xc: {  	[smem:$0x3FB1] =	sst s4  }
0xd: {  	[smem:$0x3FB2] =	sst s5  }
0xe: {  	[smem:$0x3FB3] =	sst s6  }
0xf: {  	[smem:$0x3FB4] =	sst s7  }
0x10: {  	[smem:$0x3FB5] =	sst s8  }
0x11: {  	[smem:$0x3FB6] =	sst s9;
	s0 =	simm.s32 @!p0 $0x0  }
0x12: {  	s1 =	sld [smem:$0x3F9C];
	s0 =	simm.s32 @p0 $0x1  }
0x13: {  	[smem:$0x3FB7] =	sst s0;
	s0 =	simm.s32 @!p1 $0x0  }
0x14: {  	s2 =	sld [smem:$0x3F9B];
	s0 =	simm.s32 @p1 $0x1  }
0x15: {  	[smem:$0x3FB8] =	sst s0;
	s0 =	simm.s32 @!p2 $0x0  }
0x16: {  	s3 =	sld [smem:$0x3FDB];
	s0 =	simm.s32 @p2 $0x1  }
0x17: {  	s4 =	simm.s32 $0x1BF5;
	[smem:$0x3FBA] =	sst s0  }
0x18: {  	s0 =	sld [smem:$0x3F9D];
	_ =	swait.ge [sflag:s4], $0x0  }
0x19: {  	s7 =	sld [smem:$0x3F9E]  }
0x1a: {  	s8 =	sadd.s32 $0xFFFFE003, lr  }
0x1b: {  	s9 =	sadd.s32 $0xFFFFFEF7, lr;
	s5 =	simm.s32 $0xFFFFFFFF;
	p2 =	slt.u32 s8, $0xFFFFF086  }
0x1c: {  	p1 =	slt.u32 s9, $0xF7A;
	s5 =	simm.s32 @!p2 $0x0  }
0x1d: {  	s5 =	simm.s32 @p1 $0x1;
	p0 =	seq.s32 s7, s2  }
0x1e: {  	s7 =	smul.u32 @!p0 $0xF7A, s2;
	p2 =	seq.s32 @!p0 s5, $0x0  }
0x1f: {  	s9 =	smul.u32 $0xF7A, s1;
	s8 =	simm.s32 @!p0 $0x1BF5;
	p2 =	por !p2, p0  }
0x20: {  	[sflag:s8] =	ssyncset.s32 @!p0 $0xFFFFF086;
	s6 =	sadd.s32 @!p0 s3, s7;
	s7 =	simm.s32 @!p0 $0x108  }
0x21: {  	s3 =	sadd.s32 s3, s9;
	s6 =	sadd.s32 @!p0 $0x88, s6;
	s7 =	simm.s32 @p2 $0x1082  }
0x22: {  	[simem:s7], [sflag:s8] =	dma.local @!p0 [hbm:s6], $0xF7A  }
0x23: {  	s9 =	sor.u32 $0xD0000000, s2;
	s6 =	simm.s32 $0x108;
	_ =	swait.ge @!p0 [sflag:s8], $0x0  }
0x24: {  	s3 =	sadd.s32 $0x88, s3;
	s6 =	simm.s32 @!p1 $0x1082;
	[sflag:s4] =	ssyncset.s32 $0xFFFFF086  }
0x25: {  	[simem:s6], [sflag:s4] =	dma.local [hbm:s3], $0xF7A  }
0x26: {  	[smem:$0x3F9E] =	sst s1;
	(tag) =	ssettag s2;
	_ =	strace s9  }
0x27: {  	s1 =	sld [smem:$0x3FAE]  }
0x28: {  	s2 =	sld [smem:$0x3FAF]  }
0x29: {  	s4 =	sld [smem:$0x3FB1]  }
0x2a: {  	p0 =	seq.s32 s5, $0x0;
	s5 =	sld [smem:$0x3FB2]  }
0x2b: {  	s6 =	sld [smem:$0x3FB3]  }
0x2c: {  	s7 =	sld [smem:$0x3FB4]  }
0x2d: {  	s3 =	simm.s32 $0x108;
	s8 =	sld [smem:$0x3FB5]  }
0x2e: {  	s3 =	simm.s32 @!p0 $0x1082;
	s9 =	sld [smem:$0x3FB6]  }
0x2f: {  	lr =	sadd.s32 s0, s3;
	s0 =	sld [smem:$0x3FAD]  }
0x30: {  	s3 =	sld [smem:$0x3FB0]  }
0x31: {  	[smem:$0x3FB9] =	sst s10  }
0x32: {  	s10 =	sld [smem:$0x3FB7];
	_ =	sdelay $0x3  }
0x33: {  	p0 =	seq.s32 s10, $0x1;
	s10 =	sld [smem:$0x3FB9];
	_ =	sdelay $0x3  }
0x34: {  	[smem:$0x3FB9] =	sst s10  }
0x35: {  	s10 =	sld [smem:$0x3FB8];
	_ =	sdelay $0x3  }
0x36: {  	p1 =	seq.s32 s10, $0x1;
	s10 =	sld [smem:$0x3FB9];
	_ =	sdelay $0x3  }
0x37: {  	[smem:$0x3FB9] =	sst s10  }
0x38: {  	s10 =	sld [smem:$0x3FBA]  }
0x39: {  	_ = 	snop;
	(pc) =	sbr.ind lr, $3  }
0x3a: {  	_ = 	snop  }
0x3b: {  	_ = 	snop  }
0x3c: {  	p2 =	seq.s32 s10, $0x1;
	s10 =	sld [smem:$0x3FB9]  }
0x3d: {  	_ =	shalt  }
0x3e: {  	_ =	shalt  }
0x3f: {  	_ =	shalt  }
0x40: {  	_ =	shalt  }
0x41: {  	_ =	shalt  }
0x42: {  	_ =	shalt  }
0x43: {  	_ =	shalt  }
0x44: {  	_ =	shalt  }
0x45: {  	_ =	shalt  }
0x46: {  	_ =	shalt  }
0x47: {  	_ =	shalt  }
0x48: {  	_ =	shalt  }
0x49: {  	_ =	shalt  }
0x4a: {  	_ =	shalt  }
0x4b: {  	_ =	shalt  }
0x4c: {  	_ =	shalt  }
0x4d: {  	_ =	shalt  }
0x4e: {  	_ =	shalt  }
0x4f: {  	_ =	shalt  }
0x50: {  	_ =	shalt  }
0x51: {  	_ =	shalt  }
0x52: {  	_ =	shalt  }
0x53: {  	_ =	shalt  }
0x54: {  	_ =	shalt  }
0x55: {  	_ =	shalt  }
0x56: {  	_ =	shalt  }
0x57: {  	_ =	shalt  }
0x58: {  	_ =	shalt  }
0x59: {  	_ =	shalt  }
0x5a: {  	_ =	shalt  }
0x5b: {  	_ =	shalt  }
0x5c: {  	_ =	shalt  }
0x5d: {  	_ =	shalt  }
0x5e: {  	_ =	shalt  }
0x5f: {  	_ =	shalt  }
0x60: {  	_ =	shalt  }
0x61: {  	_ =	shalt  }
0x62: {  	_ =	shalt  }
0x63: {  	_ =	shalt  }
0x64: {  	_ =	shalt  }
0x65: {  	_ =	shalt  }
0x66: {  	_ =	shalt  }
0x67: {  	_ =	shalt  }
0x68: {  	_ =	shalt  }
0x69: {  	_ =	shalt  }
0x6a: {  	_ =	shalt  }
0x6b: {  	_ =	shalt  }
0x6c: {  	_ =	shalt  }
0x6d: {  	_ =	shalt  }
0x6e: {  	_ =	shalt  }
0x6f: {  	_ =	shalt  }
0x70: {  	_ =	shalt  }
0x71: {  	_ =	shalt  }
0x72: {  	_ =	shalt  }
0x73: {  	_ =	shalt  }
0x74: {  	_ =	shalt  }
0x75: {  	_ =	shalt  }
0x76: {  	_ =	shalt  }
0x77: {  	_ =	shalt  }
0x78: {  	_ =	shalt  }
0x79: {  	_ =	shalt  }
0x7a: {  	_ =	shalt  }
0x7b: {  	_ =	shalt  }
0x7c: {  	_ =	shalt  }
0x7d: {  	_ =	shalt  }
0x7e: {  	_ =	shalt  }
0x7f: {  	_ =	shalt  }
0x80: {  	_ =	shalt  }
0x81: {  	_ =	shalt  }
0x82: {  	_ =	shalt  }
0x83: {  	_ =	shalt  }
0x84: {  	_ =	shalt  }
0x85: {  	_ =	shalt  }
0x86: {  	_ =	shalt  }
0x87: {  	_ =	shalt  }
.Lfunc_end0:
.L_simem_size_0:
called_computation_lowered:
.L_overlay_start_0:
0x88: {  	s2 =	sld [smem:$0x3FD9]  }
0x89: {  	s3 =	sld [smem:$0x3FFE];
	_ =	sdelay $0x1  }
0x8a: {  	s1 =	srdreg.scid  }
0x8b: {  	s0 =	sand.u32 $0x1, s1  }
0x8c: {  	s17 =	sshll.u32 s0, $0xA;
	s2 =	sadd.s32 s3, s2  }
0x8d: {  	s2 =	sadd.s32 s2, s17  }
0x8e: {  	[smem:$0x3FC5] =	sst s2  }
0x8f: {  	_ = 	snop  }
0x90: {  	s2 =	sld [smem:$0x3FC9]  }
0x91: {  	s18 =	sld [smem:$0x3FC8]  }
0x92: {  	s4 =	sld [smem:$0x3FC7];
	(tm) =	ssettm $0x1  }
0x93: {  	s5 =	sld [smem:$0x3FFB];
	_ =	sdelay $0x3  }
0x94: {  	_ =	strace s5  }
0x95: {  	s5 =	sld [smem:$0x3FFC];
	_ =	sdelay $0x3  }
0x96: {  	_ =	strace s5  }
0x97: {  	s5 =	sld [smem:$0x3FFD];
	_ =	sdelay $0x3  }
0x98: {  	_ =	strace s5  }
0x99: {  	_ =	strace $0x8FFFFFFF  }
0x9a: {  	s19 =	sld [smem:$0x3FDB];
	_ =	sdelay $0x1  }
0x9b: {  	s6 =	simm.s32 $_scs_section_size  }
0x9c: {  	s7 =	simm.s32 $_size__tile_overlayer_lowered;
	s8 =	simm.s32 $_tile_overlayer_lowered  }
0x9d: {  	s22 =	simm.s32 $0x1BFF;
	s21 =	sshll.u32 s8, $0x1;
	s5 =	sadd.s32 s6, s19  }
0x9e: {  	s9 =	simm.s32 $0x0;
	s20 =	sshll.u32 s7, $0x1;
	s7 =	sadd.s32 s21, s5  }
0x9f: {  	[timem:s9], [sflag:s22] =	dma.local [hbm:s7], s20  }
0xa0: {  	_ =	swait.ge [sflag:s22], s20  }
0xa1: {  	s6 =	ssub.s32 $0x0, s20;
	[sflag:s22] =	ssyncset.done $0x0  }
0xa2: {  	[sflag:s22] =	ssyncadd.s32 s6;
	_ =	sdelay $0x1  }
0xa3: {  	s23 =	simm.s32 $0x1B8B  }
0xa4: {  	_ =	swait.ge [sflag:s23], $0x1  }
0xa5: {  	[sflag:s23] =	ssyncset.done $0x0  }
0xa6: {  	s25 =	simm.s32 $0x1B8E;
	s24 =	sld [smem:$0x3FFE];
	[sflag:s23] =	ssyncadd.s32 $0xFFFFFFFF  }
0xa7: {  	s26 =	simm.s32 $execute0_lowered;
	[smem:$0x3FD2] =	sst s25  }
0xa8: {  	s7 =	sshll.u32 s26, $0x1;
	_ =	strace $0x80000046;
	[dreg:$0x1] =	wrdreg $0xFFFFFFFF  }
0xa9: {  	s28 =	simm.s32 $_size_execute0_lowered;
	s5 =	sadd.s32 s5, s7;
	[dreg:$0x0] =	wrdreg $0x0  }
0xaa: {  	s7 =	sshll.u32 s28, $0x1;
	[dreg:$0x2] =	wrdreg s5  }
0xab: {  	[dreg:$0x3] =	wrdreg s7  }
0xac: {  	[dreg:$0x4] =	wrdreg $0xC0  }
0xad: {  	_ =	task [dreg:s9], $0x5FFFF  }
0xae: {  	[dreg:$0x1] =	wrdreg $0xFFFFFFFF  }
0xaf: {  	[dreg:$0x0] =	wrdreg $0x60  }
0xb0: {  	[dreg:$0x2] =	wrdreg s2  }
0xb1: {  	[dreg:$0x3] =	wrdreg s18  }
0xb2: {  	[dreg:$0x4] =	wrdreg s4  }
0xb3: {  	[dreg:$0x5] =	wrdreg s24  }
0xb4: {  	[dreg:$0x6] =	wrdreg $0x9  }
0xb5: {  	_ =	task.clear_ibuf [dreg:s9], $0x7FFFF;
	_ =	strace $0x90000046  }
0xb6: {  	s29 =	simm.s32 $0x9;
	_ =	strace $0x80000048  }
0xb7: {  	_ =	swait.ge [sflag:s29], $0x1  }
0xb8: {  	[sflag:s29] =	ssyncadd.s32 $0xFFFFFFFF  }
0xb9: {  	_ =	strace $0x90000048  }
0xba: {  	_ =	sfence  }
0xbb: {  	s30 =	sld [smem:$0x0];
	_ =	sdelay $0x2  }
0xbc: {  	s31 =	sshll.u32 s1, $0xD;
	s1 =	sshrl.u32 s1, $0x2  }
0xbd: {  	s3 =	sand.u32 $0x4000, s31;
	s1 =	sadd.s32 s1, s30  }
0xbe: {  	s0 =	sor.u32 s3, s0;
	s1 =	sshll.u32 s1, $0x11  }
0xbf: {  	s0 =	sor.u32 s1, s0  }
0xc0: {  	s0 =	sadd.s32 $0x8F2B, s0  }
0xc1: {  	[sflag:s0] =	ssyncadd.remote.s32 $0x1  }
0xc2: {  	_ =	sfence.sel $0xFFFF  }
0xc3: {  	[dreg:$0x0] =	wrdreg $0xFFFFFFFF;
	(pc) =	sbr.abs _section_cstart, $3  }
0xc4: {  	[dreg:$0x1] =	wrdreg $0xFFFFFFFF  }
0xc5: {  	_ =	task.clear_ibuf [dreg:s9], $0x2FFFF;
	_ =	strace $0x9FFFFFFF  }
0xc6: {  	(tm) =	ssettm $0x7FFFFFFF  }
0xc7: {  	_ =	shalt  }
tec
execute0_lowered:
.L_overlay_start_1:
0x0: {  	(tag) =	ssettag $0x1  }
0x1: {  	s1 =	rddreg [dreg:$0x0]  }
0x2: {  	s0 =	rddreg [dreg:$0x1]  }
0x3: {  	s3 =	rddreg [dreg:$0x2]  }
0x4: {  	s2 =	rddreg [dreg:$0x3]  }
0x5: {  	s5 =	srdreg.scid;
	s6 =	stileid.u32  }
0x6: {  	s4 =	simm.s32 $0x0;
	s28 =	simm.s32 $0x5;
	s29 =	simm.s32 $0x2  }
0x7: {  	s30 =	simm.s32 $0x6;
	s31 =	simm.s32 $0x3;
	s5 =	sand.u32 $0x1, s5  }
0x8: {  	s6 =	sshll.u32 s6, $0x1;
	[smem:$0x7FF] =	sst s4;
	s11 =	sadd.s32 $0x100, s3  }
0x9: {  	s12 =	sadd.s32 $0x200, s3;
	s13 =	sadd.s32 $0x300, s3;
	s6 =	sor.u32 s5, s6  }
0xa: {  	_ =	strace $0x80000047;
	s5 =	ssub.s32 $0x2, s5;
	s19 =	sshll.u32 s6, $0x6  }
0xb: {  	s7 =	sshll.u32 s6, $0xA;
	s8 =	sshll.u32 s6, $0x10;
	s0 =	sadd.s32 s0, s19  }
0xc: {  	s18 =	sshrl.u32 s5, $0x1;
	s8 =	sadd.s32 s1, s8;
	[dreg:$0x6] =	wrdreg s0  }
0xd: {  	s6 =	sshll.u32 s6, $0x9;
	s20 =	sadd.s32 $0x400, s8;
	[dreg:$0x5] =	wrdreg s8  }
0xe: {  	s2 =	sadd.s32 s7, s2;
	s21 =	sadd.s32 $0x800, s8;
	[dreg:$0x7] =	wrdreg s20  }
0xf: {  	s5 =	ssub.s32 s5, s18;
	s22 =	sadd.s32 $0xC00, s8;
	[dreg:$0x8] =	wrdreg s21  }
0x10: {  	s18 =	simm.s32 $0x9;
	s23 =	sadd.s32 $0xE00, s2;
	[dreg:$0x9] =	wrdreg s22  }
0x11: {  	s19 =	simm.s32 $0x8;
	s24 =	sadd.s32 $0x8E00, s2;
	[dreg:$0xa] =	wrdreg s23  }
.Ltmp0:
0x12: {  	s25 =	sadd.s32 $0x10E00, s2;
	[dreg:$0xb] =	wrdreg s24;
	(pc) =	sbr.rel .LBB2_1-.Ltmp0, $4  }
0x13: {  	s26 =	smax.u32 s5, $0x1;
	s0 =	simm.s32 $0x7;
	[dreg:$0xc] =	wrdreg s25  }
0x14: {  	v0 =	vlaneseq.u32;
	s2 =	simm.s32 $0x4;
	[dreg:$0xd] =	wrdreg s26;
	s22 =	simm.s32 $0x6200  }
0x15: {  	v1 =	vshrl.u32 v0, $0x3;
	s21 =	simm.s32 $0xE200;
	s23 =	simm.s32 $0xEA00;
	s24 =	simm.s32 $0xF200  }
0x16: {  	vm0 =	vmmov $0xffff;
	v0 =	vand.u32 $0x7, v0;
	v1 =	vmul.u32 $0x8, v1;
	s25 =	simm.s32 $0xFA00;
	s26 =	simm.s32 $0x1;
	s20 =	simm.s32 $0x0  }
.LBB2_20:
0x17: {  	s5 =	rddreg [dreg:$0xa];
	s7 =	simm.s32 $0x10200  }
0x18: {  	[hbm4b:s5+s4] =	stream.linear.scatter [tilespmem:s7], [sflag:$0x9], $0x2000, $0x38;
	[tilespmem:$0x16200] =	vst v63  }
0x19: {  	_ =	swait.ge [sflag:s18], $0x2000  }
0x1a: {  	[sflag:s18] =	ssyncset.done $0x0  }
0x1b: {  	s14 =	simm.s32 $0x12200;
	s10 =	rddreg [dreg:$0xb];
	[sflag:s18] =	ssyncadd.s32 $0xFFFFE000  }
0x1c: {  	[hbm4b:s10+s4] =	stream.linear.scatter [tilespmem:s14], [sflag:$0x9], $0x2000, $0x38;
	[tilespmem:$0x16200] =	vst v63  }
0x1d: {  	_ =	swait.ge [sflag:s18], $0x2000  }
0x1e: {  	[sflag:s18] =	ssyncset.done $0x0  }
0x1f: {  	s16 =	simm.s32 $0x14200;
	s15 =	rddreg [dreg:$0xc];
	[sflag:s18] =	ssyncadd.s32 $0xFFFFE000  }
0x20: {  	[hbm4b:s15+s4] =	stream.linear.scatter [tilespmem:s16], [sflag:$0x9], $0x2000, $0x38;
	[tilespmem:$0x16200] =	vst v63  }
0x21: {  	_ =	swait.ge [sflag:s18], $0x2000  }
0x22: {  	s20 =	sadd.s32 $0x1, s20;
	s17 =	rddreg [dreg:$0xd]  }
0x23: {  	p0 =	sne.s32 s20, s17  }
.Ltmp1:
0x24: {  	_ = 	snop;
	(pc) =	sbr.rel @!p0 .LBB2_21-.Ltmp1, $3  }
0x25: {  	_ =	sdelay $0x1  }
0x26: {  	[sflag:s18] =	ssyncset.done $0x0  }
0x27: {  	[sflag:s18] =	ssyncadd.s32 $0xFFFFE000  }
.LBB2_1:
0x28: {  	s5 =	rddreg [dreg:$0x6]  }
0x29: {  	[tilespmem:s4], [sflag:$0x9] =	stream.linear.gather [hbm4b:s5+s4], $0x200, $0x38;
	[tilespmem:$0x16200] =	vst v63  }
0x2a: {  	_ =	swait.ge [sflag:s18], $0x200  }
0x2b: {  	[sflag:s18] =	ssyncset.done $0x0  }
0x2c: {  	s7 =	simm.s32 $0x200;
	s15 =	rddreg [dreg:$0x5];
	[sflag:s18] =	ssyncadd.s32 $0xFFFFFE00  }
0x2d: {  	[tilespmem:s7], [sflag:$0x1] =	stream.linear.gather [hbm4b:s15+s4], $0x2000, $0x38;
	[tilespmem:$0x16200] =	vst v63  }
0x2e: {  	s17 =	simm.s32 $0x2200;
	s16 =	rddreg [dreg:$0x7]  }
0x2f: {  	[tilespmem:s17], [sflag:$0x2] =	stream.linear.gather [hbm4b:s16+s4], $0x2000, $0x38;
	[tilespmem:$0x16200] =	vst v63  }
0x30: {  	s9 =	simm.s32 $0x4200;
	s8 =	rddreg [dreg:$0x8]  }
0x31: {  	[tilespmem:s9], [sflag:$0x3] =	stream.linear.gather [hbm4b:s8+s4], $0x2000, $0x38;
	[tilespmem:$0x16200] =	vst v63  }
0x32: {  	s10 =	rddreg [dreg:$0x9]  }
0x33: {  	[tilespmem:s22], [sflag:$0x4] =	stream.linear.gather [hbm4b:s10+s4], $0x2000, $0x38;
	[tilespmem:$0x16200] =	vst v63  }
0x34: {  	v2 =	vld.msk [tilespmem:$0x0], $0xff;
	_ =	sdelay $0x4  }
0x35: {  	v3 =	vshll.u32 v2, $0x3  }
0x36: {  	v2 =	vand.u32 $0x7, v2;
	v3 =	vand.u32 $0xFFFFFFC0, v3  }
0x37: {  	v2 =	vor.u32 v2, v3  }
0x38: {  	v2 =	vperm.xlane v2, v0;
	_ =	sdelay $0x1  }
0x39: {  	v2 =	vadd.s32 v1, v2;
	_ =	sdelay $0x3  }
0x3a: {  	s14 =	simm.s32 $0x8200  }
0x3b: {  	[tilespmem:s14], [sflag:$0x5] =	stream.indirect_vreg.gather [hbm4b:s3+s4], $0x80, v2, vm0, $0xb8;
	[tilespmem:$0x16200] =	vst v63  }
0x3c: {  	s15 =	simm.s32 $0x8A00  }
0x3d: {  	[tilespmem:s15], [sflag:$0x5] =	stream.indirect_vreg.gather [hbm4b:s11+s4], $0x80, v2, vm0, $0xb8;
	[tilespmem:$0x16200] =	vst v63  }
0x3e: {  	s16 =	simm.s32 $0x9200  }
0x3f: {  	[tilespmem:s16], [sflag:$0x5] =	stream.indirect_vreg.gather [hbm4b:s12+s4], $0x80, v2, vm0, $0xb8;
	[tilespmem:$0x16200] =	vst v63  }
0x40: {  	s17 =	simm.s32 $0x9A00  }
0x41: {  	[tilespmem:s17], [sflag:$0x5] =	stream.indirect_vreg.gather [hbm4b:s13+s4], $0x80, v2, vm0, $0xb8;
	[tilespmem:$0x16200] =	vst v63  }
0x42: {  	v2 =	vld.msk [tilespmem:$0x8], $0xff;
	_ =	sdelay $0x4  }
0x43: {  	v3 =	vshll.u32 v2, $0x3  }
0x44: {  	v2 =	vand.u32 $0x7, v2;
	v3 =	vand.u32 $0xFFFFFFC0, v3  }
0x45: {  	v2 =	vor.u32 v2, v3  }
0x46: {  	v2 =	vperm.xlane v2, v0;
	_ =	sdelay $0x1  }
0x47: {  	v2 =	vadd.s32 v1, v2;
	_ =	sdelay $0x3  }
0x48: {  	s7 =	simm.s32 $0xA200  }
0x49: {  	[tilespmem:s7], [sflag:$0x6] =	stream.indirect_vreg.gather [hbm4b:s3+s4], $0x80, v2, vm0, $0xb8;
	[tilespmem:$0x16200] =	vst v63  }
0x4a: {  	s8 =	simm.s32 $0xAA00  }
0x4b: {  	[tilespmem:s8], [sflag:$0x6] =	stream.indirect_vreg.gather [hbm4b:s11+s4], $0x80, v2, vm0, $0xb8;
	[tilespmem:$0x16200] =	vst v63  }
0x4c: {  	s9 =	simm.s32 $0xB200  }
0x4d: {  	[tilespmem:s9], [sflag:$0x6] =	stream.indirect_vreg.gather [hbm4b:s12+s4], $0x80, v2, vm0, $0xb8;
	[tilespmem:$0x16200] =	vst v63  }
0x4e: {  	s10 =	simm.s32 $0xBA00  }
0x4f: {  	[tilespmem:s10], [sflag:$0x6] =	stream.indirect_vreg.gather [hbm4b:s13+s4], $0x80, v2, vm0, $0xb8;
	[tilespmem:$0x16200] =	vst v63  }
0x50: {  	v2 =	vld.msk [tilespmem:$0x10], $0xff;
	_ =	sdelay $0x4  }
0x51: {  	v3 =	vshll.u32 v2, $0x3  }
0x52: {  	v2 =	vand.u32 $0x7, v2;
	v3 =	vand.u32 $0xFFFFFFC0, v3  }
0x53: {  	v2 =	vor.u32 v2, v3  }
0x54: {  	v2 =	vperm.xlane v2, v0;
	_ =	sdelay $0x1  }
0x55: {  	v2 =	vadd.s32 v1, v2;
	_ =	sdelay $0x3  }
0x56: {  	s14 =	simm.s32 $0xC200  }
0x57: {  	[tilespmem:s14], [sflag:$0x7] =	stream.indirect_vreg.gather [hbm4b:s3+s4], $0x80, v2, vm0, $0xb8;
	[tilespmem:$0x16200] =	vst v63  }
0x58: {  	s15 =	simm.s32 $0xCA00  }
0x59: {  	[tilespmem:s15], [sflag:$0x7] =	stream.indirect_vreg.gather [hbm4b:s11+s4], $0x80, v2, vm0, $0xb8;
	[tilespmem:$0x16200] =	vst v63  }
0x5a: {  	s16 =	simm.s32 $0xD200  }
0x5b: {  	[tilespmem:s16], [sflag:$0x7] =	stream.indirect_vreg.gather [hbm4b:s12+s4], $0x80, v2, vm0, $0xb8;
	[tilespmem:$0x16200] =	vst v63  }
0x5c: {  	s17 =	simm.s32 $0xDA00  }
0x5d: {  	[tilespmem:s17], [sflag:$0x7] =	stream.indirect_vreg.gather [hbm4b:s13+s4], $0x80, v2, vm0, $0xb8;
	[tilespmem:$0x16200] =	vst v63  }
0x5e: {  	v2 =	vld.msk [tilespmem:$0x18], $0xff;
	_ =	sdelay $0x4  }
0x5f: {  	v3 =	vshll.u32 v2, $0x3  }
0x60: {  	v2 =	vand.u32 $0x7, v2;
	v3 =	vand.u32 $0xFFFFFFC0, v3  }
0x61: {  	v2 =	vor.u32 v2, v3  }
0x62: {  	v2 =	vperm.xlane v2, v0;
	_ =	sdelay $0x1  }
0x63: {  	v2 =	vadd.s32 v1, v2;
	_ =	sdelay $0x4  }
0x64: {  	[tilespmem:s21], [sflag:$0x8] =	stream.indirect_vreg.gather [hbm4b:s3+s4], $0x80, v2, vm0, $0xb8;
	[tilespmem:$0x16200] =	vst v63  }
0x65: {  	_ = 	snop  }
0x66: {  	[tilespmem:s23], [sflag:$0x8] =	stream.indirect_vreg.gather [hbm4b:s11+s4], $0x80, v2, vm0, $0xb8;
	[tilespmem:$0x16200] =	vst v63  }
0x67: {  	_ = 	snop  }
0x68: {  	[tilespmem:s24], [sflag:$0x8] =	stream.indirect_vreg.gather [hbm4b:s12+s4], $0x80, v2, vm0, $0xb8;
	[tilespmem:$0x16200] =	vst v63  }
0x69: {  	s7 =	simm.s32 $0x0  }
0x6a: {  	[tilespmem:s25], [sflag:$0x8] =	stream.indirect_vreg.gather [hbm4b:s13+s4], $0x80, v2, vm0, $0xb8;
	[tilespmem:$0x16200] =	vst v63  }
.LBB2_2:
0x6b: {  	_ =	swait.ge [sflag:s26], $0x2000  }
0x6c: {  	[sflag:s26] =	ssyncset.done $0x0  }
0x6d: {  	[sflag:s26] =	ssyncadd.s32 $0xFFFFE000  }
0x6e: {  	_ =	swait.ge [sflag:s28], $0x2000  }
0x6f: {  	s8 =	sshll.u32 s7, $0x9;
	s9 =	simm.s32 $0x0;
	[sflag:s28] =	ssyncset.done $0x0  }
0x70: {  	s10 =	simm.s32 $0x240;
	s14 =	simm.s32 $0x8240;
	[sflag:s28] =	ssyncadd.s32 $0xFFFFE000  }
.LBB2_3:
0x71: {  	v2 =	vld [tilespmem:s10+$0xFFFFFFC0]  }
0x72: {  	v3 =	vld [tilespmem:s14+$0xFFFFFFC0]  }
0x73: {  	v4 =	vld [tilespmem:s10+$0xFFFFFFD0]  }
0x74: {  	v5 =	vld [tilespmem:s14+$0xFFFFFFD0]  }
0x75: {  	v6 =	vld [tilespmem:s10+$0xFFFFFFE0]  }
0x76: {  	v8 =	vld [tilespmem:s14+$0xFFFFFFE0]  }
0x77: {  	v9 =	vld [tilespmem:s10+$0xFFFFFFF0];
	v7 =	vmul.f32 v2, v2  }
0x78: {  	v10 =	vimm.f32 $0.0e+00;
	v11 =	vld [tilespmem:s14+$0xFFFFFFF0];
	v2 =	vmul.f32 v3, v2;
	v3 =	vmul.f32 v3, v3  }
0x79: {  	v13 =	vld [tilespmem:s10+$0x0];
	v12 =	vmul.f32 v4, v4;
	v4 =	vmul.f32 v5, v4;
	v7 =	vadd.f32 v7, v10  }
0x7a: {  	v14 =	vld [tilespmem:s14+$0x0];
	v5 =	vmul.f32 v5, v5;
	v2 =	vadd.f32 v2, v10;
	v3 =	vadd.f32 v3, v10  }
0x7b: {  	v15 =	vmul.f32 v8, v6;
	v10 =	vadd.f32 v12, v7;
	v12 =	vmul.f32 v6, v6;
	v7 =	vld [tilespmem:s10+$0x10]  }
0x7c: {  	v2 =	vadd.f32 v4, v2;
	v3 =	vadd.f32 v5, v3;
	v4 =	vmul.f32 v8, v8;
	v6 =	vld [tilespmem:s14+$0x10]  }
0x7d: {  	v16 =	vmul.f32 v11, v9;
	v5 =	vld [tilespmem:s10+$0x20];
	v8 =	vadd.f32 v12, v10;
	v10 =	vmul.f32 v9, v9  }
0x7e: {  	v11 =	vmul.f32 v11, v11;
	v15 =	vadd.f32 v15, v2;
	v4 =	vadd.f32 v4, v3;
	v2 =	vld [tilespmem:s14+$0x20]  }
0x7f: {  	v12 =	vmul.f32 v13, v13;
	v3 =	vld [tilespmem:s10+$0x30];
	v9 =	vadd.f32 v10, v8;
	v8 =	vmul.f32 v14, v13  }
0x80: {  	s15 =	simm.s32 $0x0;
	s16 =	sadd.s32 $0x400, s10;
	s17 =	smov.u32 s14;
	v10 =	vadd.f32 v16, v15;
	v11 =	vadd.f32 v11, v4;
	v13 =	vmul.f32 v14, v14;
	v4 =	vld [tilespmem:s14+$0x30]  }
.LBB2_4:
0x81: {  	v14 =	vld [tilespmem:s16+$0xFFFFFFC0];
	v9 =	vadd.f32 v12, v9;
	v12 =	vmul.f32 v7, v7;
	v7 =	vmul.f32 v6, v7;
	s17 =	sadd.s32 $0x400, s17  }
0x82: {  	v6 =	vmul.f32 v6, v6;
	v15 =	vld [tilespmem:s17+$0xFFFFFFC0];
	v8 =	vadd.f32 v8, v10;
	v10 =	vadd.f32 v13, v11  }
0x83: {  	s15 =	sadd.s32 $0x8, s15;
	v11 =	vld [tilespmem:s16+$0xFFFFFFD0];
	v9 =	vadd.f32 v12, v9;
	v12 =	vmul.f32 v5, v5;
	v5 =	vmul.f32 v2, v5  }
0x84: {  	p0 =	slt.u32 s15, $0x38;
	v2 =	vmul.f32 v2, v2;
	v13 =	vld [tilespmem:s17+$0xFFFFFFD0];
	v7 =	vadd.f32 v7, v8;
	v6 =	vadd.f32 v6, v10  }
0x85: {  	v10 =	vmul.f32 v3, v3;
	v8 =	vld [tilespmem:s16+$0xFFFFFFE0];
	v9 =	vadd.f32 v12, v9;
	v3 =	vmul.f32 v4, v3  }
0x86: {  	v4 =	vmul.f32 v4, v4;
	v12 =	vld [tilespmem:s17+$0xFFFFFFE0];
	v5 =	vadd.f32 v5, v7;
	v2 =	vadd.f32 v2, v6  }
0x87: {  	v6 =	vmul.f32 v14, v14;
	v7 =	vmul.f32 v15, v14;
	v14 =	vld [tilespmem:s16+$0xFFFFFFF0];
	v9 =	vadd.f32 v10, v9  }
0x88: {  	v10 =	vmul.f32 v15, v15;
	v15 =	vld [tilespmem:s17+$0xFFFFFFF0];
	v3 =	vadd.f32 v3, v5;
	v2 =	vadd.f32 v4, v2  }
0x89: {  	v5 =	vmul.f32 v11, v11;
	v4 =	vadd.f32 v6, v9;
	v6 =	vmul.f32 v13, v11;
	v11 =	vld [tilespmem:s16+$0x0]  }
0x8a: {  	v9 =	vmul.f32 v13, v13;
	v3 =	vadd.f32 v7, v3;
	v2 =	vadd.f32 v10, v2;
	v13 =	vld [tilespmem:s17+$0x0]  }
0x8b: {  	v4 =	vadd.f32 v5, v4;
	v5 =	vmul.f32 v8, v8;
	v8 =	vmul.f32 v12, v8;
	v7 =	vld [tilespmem:s16+$0x10]  }
.Ltmp2:
0x8c: {  	v3 =	vadd.f32 v6, v3;
	v2 =	vadd.f32 v9, v2;
	v9 =	vmul.f32 v12, v12;
	v6 =	vld [tilespmem:s17+$0x10];
	(pc) =	sbr.rel @p0 .LBB2_4-.Ltmp2, $4  }
0x8d: {  	v10 =	vmul.f32 v14, v14;
	v4 =	vadd.f32 v5, v4;
	v14 =	vmul.f32 v15, v14;
	v5 =	vld [tilespmem:s16+$0x20]  }
0x8e: {  	v15 =	vmul.f32 v15, v15;
	v16 =	vadd.f32 v8, v3;
	v17 =	vadd.f32 v9, v2;
	v2 =	vld [tilespmem:s17+$0x20]  }
0x8f: {  	v12 =	vmul.f32 v11, v11;
	v9 =	vadd.f32 v10, v4;
	v8 =	vmul.f32 v13, v11;
	v3 =	vld [tilespmem:s16+$0x30]  }
0x90: {  	v13 =	vmul.f32 v13, v13;
	s16 =	sadd.s32 $0x400, s16;
	v10 =	vadd.f32 v14, v16;
	v11 =	vadd.f32 v15, v17;
	v4 =	vld [tilespmem:s17+$0x30]  }
0x91: {  	v9 =	vadd.f32 v12, v9;
	v54 =	vmul.f32 v7, v7;
	s5 =	sor.u32 s7, s9  }
0x92: {  	v55 =	vmul.f32 v6, v7;
	v57 =	vmul.f32 v6, v6;
	p1 =	sne.s32 s9, $0x0;
	v8 =	vadd.f32 v8, v10;
	p0 =	seq.s32 s5, $0x0  }
0x93: {  	v56 =	vadd.f32 v13, v11;
	v58 =	vmul.f32 v5, v5;
	v9 =	vadd.f32 v54, v9;
	p0 =	por !p1, !p0  }
0x94: {  	s5 =	simm.s32 $0xFFFFFFFF;
	v59 =	vmul.f32 v2, v5;
	v2 =	vmul.f32 v2, v2;
	v7 =	vadd.f32 v55, v8;
	p0 =	por !p0, !p0  }
0x95: {  	s15 =	sshll.u32 s9, $0x4;
	s9 =	sadd.s32 $0x1, s9;
	v6 =	vadd.f32 v57, v56;
	v61 =	vmul.f32 v3, v3;
	v60 =	vadd.f32 v58, v9;
	s5 =	simm.s32 @!p0 $0x0  }
0x96: {  	v3 =	vmul.f32 v4, v3;
	p0 =	sne.s32 s9, $0x8;
	v5 =	vadd.f32 v59, v7;
	s5 =	sshll.u32 s5, $0x7  }
.Ltmp3:
0x97: {  	v62 =	vmul.f32 v4, v4;
	v2 =	vadd.f32 v2, v6;
	v63 =	vadd.f32 v61, v60;
	s5 =	sadd.s32 s8, s5;
	(pc) =	sbr.rel @p0 .LBB2_3-.Ltmp3, $4  }
0x98: {  	v3 =	vadd.f32 v3, v5;
	s5 =	sadd.s32 s15, s5  }
0x99: {  	v2 =	vadd.f32 v62, v2;
	[tilespmem:s5+$0x10200] =	vst v63  }
0x9a: {  	[tilespmem:s5+$0x12200] =	vst v3  }
0x9b: {  	s10 =	sadd.s32 $0x80, s10;
	s14 =	sadd.s32 $0x80, s14;
	[tilespmem:s5+$0x14200] =	vst v2  }
0x9c: {  	s9 =	sshll.u32 s7, $0x5;
	p0 =	seq.s32 s7, $0xF  }
0x9d: {  	s5 =	sadd.s32 @!p0 $0x20, s9  }
0x9e: {  	s5 =	sadd.s32 @!p0 s6, s5  }
0x9f: {  	s5 =	sshll.u32 @!p0 s5, $0x7  }
0xa0: {  	s10 =	simm.s32 @!p0 $0x0;
	s14 =	simm.s32 @!p0 $0x200;
	s5 =	sadd.s32 @!p0 s1, s5  }
0xa1: {  	[tilespmem:s14], [sflag:$0x1] =	stream.linear.gather @!p0 [hbm4b:s5+s10], $0x2000, $0x38;
	[tilespmem:$0x16200] =	vst v63  }
0xa2: {  	v2 =	vld.msk @!p0 [tilespmem:s9+$0x20], $0xff;
	_ =	sdelay $0x4  }
0xa3: {  	v3 =	vshll.u32 @!p0 v2, $0x3  }
0xa4: {  	v4 =	vlaneseq.u32 @!p0;
	v2 =	vand.u32 @!p0 $0x7, v2;
	v3 =	vand.u32 @!p0 $0xFFFFFFC0, v3  }
0xa5: {  	v2 =	vor.u32 @!p0 v2, v3;
	v3 =	vand.u32 @!p0 $0x7, v4;
	v4 =	vshrl.u32 @!p0 v4, $0x3  }
0xa6: {  	v2 =	vperm.xlane @!p0 v2, v3;
	v3 =	vmul.u32 @!p0 $0x8, v4;
	_ =	sdelay $0x1  }
0xa7: {  	v2 =	vadd.s32 @!p0 v3, v2;
	_ =	sdelay $0x3  }
0xa8: {  	vm1 =	vmmov @!p0 $0xffff;
	s5 =	simm.s32 @!p0 $0x8200  }
0xa9: {  	[tilespmem:s5], [sflag:$0x5] =	stream.indirect_vreg.gather @!p0 [hbm4b:s3+s10], $0x80, v2, vm1, $0xb8;
	[tilespmem:$0x16200] =	vst v63  }
0xaa: {  	s5 =	simm.s32 @!p0 $0x8A00  }
0xab: {  	[tilespmem:s5], [sflag:$0x5] =	stream.indirect_vreg.gather @!p0 [hbm4b:s11+s10], $0x80, v2, vm1, $0xb8;
	[tilespmem:$0x16200] =	vst v63  }
0xac: {  	s5 =	simm.s32 @!p0 $0x9200  }
0xad: {  	[tilespmem:s5], [sflag:$0x5] =	stream.indirect_vreg.gather @!p0 [hbm4b:s12+s10], $0x80, v2, vm1, $0xb8;
	[tilespmem:$0x16200] =	vst v63  }
0xae: {  	s5 =	simm.s32 @!p0 $0x9A00  }
0xaf: {  	[tilespmem:s5], [sflag:$0x5] =	stream.indirect_vreg.gather @!p0 [hbm4b:s13+s10], $0x80, v2, vm1, $0xb8;
	[tilespmem:$0x16200] =	vst v63  }
0xb0: {  	_ =	swait.ge [sflag:s29], $0x2000  }
0xb1: {  	[sflag:s29] =	ssyncset.done $0x0  }
0xb2: {  	[sflag:s29] =	ssyncadd.s32 $0xFFFFE000  }
0xb3: {  	_ =	swait.ge [sflag:s30], $0x2000  }
0xb4: {  	s15 =	sor.u32 $0x80, s8;
	s14 =	simm.s32 $0x2240;
	[sflag:s30] =	ssyncset.done $0x0  }
0xb5: {  	s10 =	simm.s32 $0x0;
	s5 =	simm.s32 $0xA240;
	v2 =	vmov s15;
	[sflag:s30] =	ssyncadd.s32 $0xFFFFE000  }
.LBB2_7:
0xb6: {  	v3 =	vld [tilespmem:s14+$0xFFFFFFC0]  }
0xb7: {  	v4 =	vld [tilespmem:s5+$0xFFFFFFC0]  }
0xb8: {  	v5 =	vld [tilespmem:s14+$0xFFFFFFD0]  }
0xb9: {  	v6 =	vld [tilespmem:s5+$0xFFFFFFD0]  }
0xba: {  	v7 =	vld [tilespmem:s14+$0xFFFFFFE0]  }
0xbb: {  	v8 =	vld [tilespmem:s5+$0xFFFFFFE0]  }
0xbc: {  	v10 =	vld [tilespmem:s14+$0xFFFFFFF0];
	v9 =	vmul.f32 v3, v3  }
0xbd: {  	v11 =	vimm.f32 $0.0e+00;
	v12 =	vld [tilespmem:s5+$0xFFFFFFF0];
	v3 =	vmul.f32 v4, v3;
	v4 =	vmul.f32 v4, v4  }
0xbe: {  	v14 =	vld [tilespmem:s14+$0x0];
	v13 =	vmul.f32 v5, v5;
	v5 =	vmul.f32 v6, v5;
	v9 =	vadd.f32 v9, v11  }
0xbf: {  	v16 =	vld [tilespmem:s5+$0x0];
	v6 =	vmul.f32 v6, v6;
	v15 =	vadd.f32 v3, v11;
	v4 =	vadd.f32 v4, v11  }
0xc0: {  	v11 =	vmul.f32 v7, v7;
	v7 =	vmul.f32 v8, v7;
	v3 =	vld [tilespmem:s14+$0x10];
	v9 =	vadd.f32 v13, v9  }
0xc1: {  	v8 =	vmul.f32 v8, v8;
	v13 =	vadd.f32 v5, v15;
	v6 =	vadd.f32 v6, v4;
	v4 =	vld [tilespmem:s5+$0x10]  }
0xc2: {  	v15 =	vmul.f32 v12, v10;
	v5 =	vld [tilespmem:s14+$0x20];
	v9 =	vadd.f32 v11, v9;
	v11 =	vmul.f32 v10, v10  }
0xc3: {  	v12 =	vmul.f32 v12, v12;
	v17 =	vadd.f32 v7, v13;
	v8 =	vadd.f32 v8, v6;
	v6 =	vld [tilespmem:s5+$0x20]  }
0xc4: {  	v13 =	vmul.f32 v14, v14;
	v7 =	vld [tilespmem:s14+$0x30];
	v10 =	vadd.f32 v11, v9;
	v9 =	vmul.f32 v16, v14  }
0xc5: {  	s16 =	simm.s32 $0x0;
	s17 =	sadd.s32 $0x400, s14;
	s15 =	smov.u32 s5;
	v11 =	vadd.f32 v15, v17;
	v12 =	vadd.f32 v12, v8;
	v14 =	vmul.f32 v16, v16;
	v8 =	vld [tilespmem:s5+$0x30]  }
.LBB2_8:
0xc6: {  	v15 =	vld [tilespmem:s17+$0xFFFFFFC0];
	v10 =	vadd.f32 v13, v10;
	v13 =	vmul.f32 v3, v3;
	v3 =	vmul.f32 v4, v3;
	s15 =	sadd.s32 $0x400, s15  }
0xc7: {  	v4 =	vmul.f32 v4, v4;
	v16 =	vld [tilespmem:s15+$0xFFFFFFC0];
	v9 =	vadd.f32 v9, v11;
	v11 =	vadd.f32 v14, v12  }
0xc8: {  	s16 =	sadd.s32 $0x8, s16;
	v12 =	vld [tilespmem:s17+$0xFFFFFFD0];
	v10 =	vadd.f32 v13, v10;
	v13 =	vmul.f32 v5, v5;
	v5 =	vmul.f32 v6, v5  }
0xc9: {  	p1 =	slt.u32 s16, $0x38;
	v6 =	vmul.f32 v6, v6;
	v14 =	vld [tilespmem:s15+$0xFFFFFFD0];
	v3 =	vadd.f32 v3, v9;
	v4 =	vadd.f32 v4, v11  }
0xca: {  	v11 =	vmul.f32 v7, v7;
	v9 =	vld [tilespmem:s17+$0xFFFFFFE0];
	v10 =	vadd.f32 v13, v10;
	v7 =	vmul.f32 v8, v7  }
0xcb: {  	v13 =	vld [tilespmem:s15+$0xFFFFFFE0];
	v3 =	vadd.f32 v5, v3;
	v4 =	vadd.f32 v6, v4;
	v5 =	vmul.f32 v8, v8  }
0xcc: {  	v6 =	vmul.f32 v15, v15;
	v8 =	vmul.f32 v16, v15;
	v15 =	vld [tilespmem:s17+$0xFFFFFFF0];
	v10 =	vadd.f32 v11, v10  }
0xcd: {  	v11 =	vmul.f32 v16, v16;
	v16 =	vld [tilespmem:s15+$0xFFFFFFF0];
	v3 =	vadd.f32 v7, v3;
	v4 =	vadd.f32 v5, v4  }
0xce: {  	v5 =	vadd.f32 v6, v10;
	v6 =	vmul.f32 v12, v12;
	v7 =	vmul.f32 v14, v12;
	v12 =	vld [tilespmem:s17+$0x0]  }
0xcf: {  	v10 =	vmul.f32 v14, v14;
	v8 =	vadd.f32 v8, v3;
	v4 =	vadd.f32 v11, v4;
	v14 =	vld [tilespmem:s15+$0x0]  }
0xd0: {  	v5 =	vadd.f32 v6, v5;
	v6 =	vmul.f32 v9, v9;
	v9 =	vmul.f32 v13, v9;
	v3 =	vld [tilespmem:s17+$0x10]  }
.Ltmp4:
0xd1: {  	v7 =	vadd.f32 v7, v8;
	v8 =	vadd.f32 v10, v4;
	v10 =	vmul.f32 v13, v13;
	v4 =	vld [tilespmem:s15+$0x10];
	(pc) =	sbr.rel @p1 .LBB2_8-.Ltmp4, $4  }
0xd2: {  	v13 =	vmul.f32 v15, v15;
	v11 =	vadd.f32 v6, v5;
	v15 =	vmul.f32 v16, v15;
	v5 =	vld [tilespmem:s17+$0x20]  }
0xd3: {  	v16 =	vmul.f32 v16, v16;
	v17 =	vadd.f32 v9, v7;
	v8 =	vadd.f32 v10, v8;
	v6 =	vld [tilespmem:s15+$0x20]  }
0xd4: {  	v10 =	vadd.f32 v13, v11;
	v13 =	vmul.f32 v12, v12;
	v9 =	vmul.f32 v14, v12;
	v7 =	vld [tilespmem:s17+$0x30]  }
0xd5: {  	v14 =	vmul.f32 v14, v14;
	s17 =	sadd.s32 $0x400, s17;
	v11 =	vadd.f32 v15, v17;
	v12 =	vadd.f32 v16, v8;
	v8 =	vld [tilespmem:s15+$0x30]  }
0xd6: {  	v10 =	vadd.f32 v13, v10;
	v53 =	vmul.f32 v3, v3  }
0xd7: {  	v3 =	vmul.f32 v4, v3;
	v55 =	vmul.f32 v4, v4;
	v9 =	vadd.f32 v9, v11  }
0xd8: {  	v54 =	vadd.f32 v14, v12;
	v56 =	vmul.f32 v5, v5;
	v10 =	vadd.f32 v53, v10  }
0xd9: {  	v57 =	vmul.f32 v6, v5;
	v58 =	vmul.f32 v6, v6;
	v3 =	vadd.f32 v3, v9  }
0xda: {  	s15 =	sshll.u32 s10, $0x4;
	s10 =	sadd.s32 $0x1, s10;
	v4 =	vadd.f32 v55, v54;
	v60 =	vmul.f32 v7, v7;
	v59 =	vadd.f32 v56, v10  }
0xdb: {  	p1 =	sne.s32 s10, $0x8;
	v61 =	vmul.f32 v8, v7;
	v3 =	vadd.f32 v57, v3  }
.Ltmp5:
0xdc: {  	v62 =	vmul.f32 v8, v8;
	v4 =	vadd.f32 v58, v4;
	v63 =	vadd.f32 v60, v59;
	(pc) =	sbr.rel @p1 .LBB2_7-.Ltmp5, $4  }
0xdd: {  	v3 =	vadd.f32 v61, v3  }
0xde: {  	v4 =	vadd.f32 v62, v4;
	[tilespmem:v2+s15+$0x10200 ss:$0x1] =	vst.idx.msk $0xffff, v63  }
0xdf: {  	[tilespmem:v2+s15+$0x12200 ss:$0x1] =	vst.idx.msk $0xffff, v3  }
0xe0: {  	s14 =	sadd.s32 $0x80, s14;
	s5 =	sadd.s32 $0x80, s5;
	[tilespmem:v2+s15+$0x14200 ss:$0x1] =	vst.idx.msk $0xffff, v4  }
0xe1: {  	s5 =	sadd.s32 @!p0 $0x28, s9  }
0xe2: {  	s5 =	sadd.s32 @!p0 s6, s5  }
0xe3: {  	s5 =	sshll.u32 @!p0 s5, $0x7  }
0xe4: {  	s10 =	simm.s32 @!p0 $0x0;
	s14 =	simm.s32 @!p0 $0x2200;
	s5 =	sadd.s32 @!p0 s1, s5  }
0xe5: {  	[tilespmem:s14], [sflag:$0x2] =	stream.linear.gather @!p0 [hbm4b:s5+s10], $0x2000, $0x38;
	[tilespmem:$0x16200] =	vst v63  }
0xe6: {  	v2 =	vld.msk @!p0 [tilespmem:s9+$0x28], $0xff;
	_ =	sdelay $0x4  }
0xe7: {  	v3 =	vshll.u32 @!p0 v2, $0x3  }
0xe8: {  	v4 =	vlaneseq.u32 @!p0;
	v2 =	vand.u32 @!p0 $0x7, v2;
	v3 =	vand.u32 @!p0 $0xFFFFFFC0, v3  }
0xe9: {  	v2 =	vor.u32 @!p0 v2, v3;
	v3 =	vand.u32 @!p0 $0x7, v4;
	v4 =	vshrl.u32 @!p0 v4, $0x3  }
0xea: {  	v2 =	vperm.xlane @!p0 v2, v3;
	v3 =	vmul.u32 @!p0 $0x8, v4;
	_ =	sdelay $0x1  }
0xeb: {  	v2 =	vadd.s32 @!p0 v3, v2;
	_ =	sdelay $0x3  }
0xec: {  	s5 =	simm.s32 @!p0 $0xA200  }
0xed: {  	[tilespmem:s5], [sflag:$0x6] =	stream.indirect_vreg.gather @!p0 [hbm4b:s3+s10], $0x80, v2, vm1, $0xb8;
	[tilespmem:$0x16200] =	vst v63  }
0xee: {  	s5 =	simm.s32 @!p0 $0xAA00  }
0xef: {  	[tilespmem:s5], [sflag:$0x6] =	stream.indirect_vreg.gather @!p0 [hbm4b:s11+s10], $0x80, v2, vm1, $0xb8;
	[tilespmem:$0x16200] =	vst v63  }
0xf0: {  	s5 =	simm.s32 @!p0 $0xB200  }
0xf1: {  	[tilespmem:s5], [sflag:$0x6] =	stream.indirect_vreg.gather @!p0 [hbm4b:s12+s10], $0x80, v2, vm1, $0xb8;
	[tilespmem:$0x16200] =	vst v63  }
0xf2: {  	s5 =	simm.s32 @!p0 $0xBA00  }
0xf3: {  	[tilespmem:s5], [sflag:$0x6] =	stream.indirect_vreg.gather @!p0 [hbm4b:s13+s10], $0x80, v2, vm1, $0xb8;
	[tilespmem:$0x16200] =	vst v63  }
0xf4: {  	_ =	swait.ge [sflag:s31], $0x2000  }
0xf5: {  	[sflag:s31] =	ssyncset.done $0x0  }
0xf6: {  	[sflag:s31] =	ssyncadd.s32 $0xFFFFE000  }
0xf7: {  	_ =	swait.ge [sflag:s0], $0x2000  }
0xf8: {  	s17 =	sor.u32 $0x100, s8;
	s15 =	simm.s32 $0xC240;
	[sflag:s0] =	ssyncset.done $0x0  }
0xf9: {  	s14 =	simm.s32 $0x4240;
	s10 =	simm.s32 $0x0;
	v2 =	vmov s17;
	[sflag:s0] =	ssyncadd.s32 $0xFFFFE000  }
.LBB2_11:
0xfa: {  	v3 =	vld [tilespmem:s14+$0xFFFFFFC0]  }
0xfb: {  	v4 =	vld [tilespmem:s15+$0xFFFFFFC0]  }
0xfc: {  	v5 =	vld [tilespmem:s14+$0xFFFFFFD0]  }
0xfd: {  	v6 =	vld [tilespmem:s15+$0xFFFFFFD0]  }
0xfe: {  	v7 =	vld [tilespmem:s14+$0xFFFFFFE0]  }
0xff: {  	v8 =	vld [tilespmem:s15+$0xFFFFFFE0]  }
0x100: {  	v10 =	vld [tilespmem:s14+$0xFFFFFFF0];
	v9 =	vmul.f32 v3, v3  }
0x101: {  	v11 =	vimm.f32 $0.0e+00;
	v12 =	vld [tilespmem:s15+$0xFFFFFFF0];
	v3 =	vmul.f32 v4, v3;
	v4 =	vmul.f32 v4, v4  }
0x102: {  	v14 =	vld [tilespmem:s14+$0x0];
	v13 =	vmul.f32 v5, v5;
	v5 =	vmul.f32 v6, v5;
	v9 =	vadd.f32 v9, v11  }
0x103: {  	v16 =	vld [tilespmem:s15+$0x0];
	v6 =	vmul.f32 v6, v6;
	v15 =	vadd.f32 v3, v11;
	v4 =	vadd.f32 v4, v11  }
0x104: {  	v11 =	vmul.f32 v7, v7;
	v7 =	vmul.f32 v8, v7;
	v3 =	vld [tilespmem:s14+$0x10];
	v9 =	vadd.f32 v13, v9  }
0x105: {  	v8 =	vmul.f32 v8, v8;
	v13 =	vadd.f32 v5, v15;
	v6 =	vadd.f32 v6, v4;
	v4 =	vld [tilespmem:s15+$0x10]  }
0x106: {  	v15 =	vmul.f32 v12, v10;
	v5 =	vld [tilespmem:s14+$0x20];
	v9 =	vadd.f32 v11, v9;
	v11 =	vmul.f32 v10, v10  }
0x107: {  	v12 =	vmul.f32 v12, v12;
	v17 =	vadd.f32 v7, v13;
	v8 =	vadd.f32 v8, v6;
	v6 =	vld [tilespmem:s15+$0x20]  }
0x108: {  	v13 =	vmul.f32 v14, v14;
	v7 =	vld [tilespmem:s14+$0x30];
	v10 =	vadd.f32 v11, v9;
	v9 =	vmul.f32 v16, v14  }
0x109: {  	s16 =	simm.s32 $0x0;
	s17 =	sadd.s32 $0x400, s14;
	s5 =	smov.u32 s15;
	v11 =	vadd.f32 v15, v17;
	v12 =	vadd.f32 v12, v8;
	v14 =	vmul.f32 v16, v16;
	v8 =	vld [tilespmem:s15+$0x30]  }
.LBB2_12:
0x10a: {  	v15 =	vld [tilespmem:s17+$0xFFFFFFC0];
	v10 =	vadd.f32 v13, v10;
	v13 =	vmul.f32 v3, v3;
	v3 =	vmul.f32 v4, v3;
	s5 =	sadd.s32 $0x400, s5  }
0x10b: {  	v4 =	vmul.f32 v4, v4;
	v16 =	vld [tilespmem:s5+$0xFFFFFFC0];
	v9 =	vadd.f32 v9, v11;
	v11 =	vadd.f32 v14, v12  }
0x10c: {  	s16 =	sadd.s32 $0x8, s16;
	v12 =	vld [tilespmem:s17+$0xFFFFFFD0];
	v10 =	vadd.f32 v13, v10;
	v13 =	vmul.f32 v5, v5;
	v5 =	vmul.f32 v6, v5  }
0x10d: {  	p1 =	slt.u32 s16, $0x38;
	v6 =	vmul.f32 v6, v6;
	v14 =	vld [tilespmem:s5+$0xFFFFFFD0];
	v3 =	vadd.f32 v3, v9;
	v4 =	vadd.f32 v4, v11  }
0x10e: {  	v11 =	vmul.f32 v7, v7;
	v9 =	vld [tilespmem:s17+$0xFFFFFFE0];
	v10 =	vadd.f32 v13, v10;
	v7 =	vmul.f32 v8, v7  }
0x10f: {  	v13 =	vld [tilespmem:s5+$0xFFFFFFE0];
	v3 =	vadd.f32 v5, v3;
	v4 =	vadd.f32 v6, v4;
	v5 =	vmul.f32 v8, v8  }
0x110: {  	v6 =	vmul.f32 v15, v15;
	v8 =	vmul.f32 v16, v15;
	v15 =	vld [tilespmem:s17+$0xFFFFFFF0];
	v10 =	vadd.f32 v11, v10  }
0x111: {  	v11 =	vmul.f32 v16, v16;
	v16 =	vld [tilespmem:s5+$0xFFFFFFF0];
	v3 =	vadd.f32 v7, v3;
	v4 =	vadd.f32 v5, v4  }
0x112: {  	v5 =	vadd.f32 v6, v10;
	v6 =	vmul.f32 v12, v12;
	v7 =	vmul.f32 v14, v12;
	v12 =	vld [tilespmem:s17+$0x0]  }
0x113: {  	v10 =	vmul.f32 v14, v14;
	v8 =	vadd.f32 v8, v3;
	v4 =	vadd.f32 v11, v4;
	v14 =	vld [tilespmem:s5+$0x0]  }
0x114: {  	v5 =	vadd.f32 v6, v5;
	v6 =	vmul.f32 v9, v9;
	v9 =	vmul.f32 v13, v9;
	v3 =	vld [tilespmem:s17+$0x10]  }
.Ltmp6:
0x115: {  	v7 =	vadd.f32 v7, v8;
	v8 =	vadd.f32 v10, v4;
	v10 =	vmul.f32 v13, v13;
	v4 =	vld [tilespmem:s5+$0x10];
	(pc) =	sbr.rel @p1 .LBB2_12-.Ltmp6, $4  }
0x116: {  	v13 =	vmul.f32 v15, v15;
	v11 =	vadd.f32 v6, v5;
	v15 =	vmul.f32 v16, v15;
	v5 =	vld [tilespmem:s17+$0x20]  }
0x117: {  	v16 =	vmul.f32 v16, v16;
	v17 =	vadd.f32 v9, v7;
	v8 =	vadd.f32 v10, v8;
	v6 =	vld [tilespmem:s5+$0x20]  }
0x118: {  	v10 =	vadd.f32 v13, v11;
	v13 =	vmul.f32 v12, v12;
	v9 =	vmul.f32 v14, v12;
	v7 =	vld [tilespmem:s17+$0x30]  }
0x119: {  	v14 =	vmul.f32 v14, v14;
	s17 =	sadd.s32 $0x400, s17;
	v11 =	vadd.f32 v15, v17;
	v12 =	vadd.f32 v16, v8;
	v8 =	vld [tilespmem:s5+$0x30]  }
0x11a: {  	v10 =	vadd.f32 v13, v10;
	v53 =	vmul.f32 v3, v3  }
0x11b: {  	v3 =	vmul.f32 v4, v3;
	v55 =	vmul.f32 v4, v4;
	v9 =	vadd.f32 v9, v11  }
0x11c: {  	v54 =	vadd.f32 v14, v12;
	v56 =	vmul.f32 v5, v5;
	v10 =	vadd.f32 v53, v10  }
0x11d: {  	v57 =	vmul.f32 v6, v5;
	v58 =	vmul.f32 v6, v6;
	v3 =	vadd.f32 v3, v9  }
0x11e: {  	s5 =	sshll.u32 s10, $0x4;
	s10 =	sadd.s32 $0x1, s10;
	v4 =	vadd.f32 v55, v54;
	v60 =	vmul.f32 v7, v7;
	v59 =	vadd.f32 v56, v10  }
0x11f: {  	p1 =	sne.s32 s10, $0x8;
	v61 =	vmul.f32 v8, v7;
	v3 =	vadd.f32 v57, v3  }
.Ltmp7:
0x120: {  	v62 =	vmul.f32 v8, v8;
	v4 =	vadd.f32 v58, v4;
	v63 =	vadd.f32 v60, v59;
	(pc) =	sbr.rel @p1 .LBB2_11-.Ltmp7, $4  }
0x121: {  	v3 =	vadd.f32 v61, v3  }
0x122: {  	v4 =	vadd.f32 v62, v4;
	[tilespmem:v2+s5+$0x10200 ss:$0x1] =	vst.idx.msk $0xffff, v63  }
0x123: {  	[tilespmem:v2+s5+$0x12200 ss:$0x1] =	vst.idx.msk $0xffff, v3  }
0x124: {  	s14 =	sadd.s32 $0x80, s14;
	s15 =	sadd.s32 $0x80, s15;
	[tilespmem:v2+s5+$0x14200 ss:$0x1] =	vst.idx.msk $0xffff, v4  }
0x125: {  	s5 =	sadd.s32 @!p0 $0x30, s9  }
0x126: {  	s5 =	sadd.s32 @!p0 s6, s5  }
0x127: {  	s5 =	sshll.u32 @!p0 s5, $0x7  }
0x128: {  	s10 =	simm.s32 @!p0 $0x0;
	s14 =	simm.s32 @!p0 $0x4200;
	s5 =	sadd.s32 @!p0 s1, s5  }
0x129: {  	[tilespmem:s14], [sflag:$0x3] =	stream.linear.gather @!p0 [hbm4b:s5+s10], $0x2000, $0x38;
	[tilespmem:$0x16200] =	vst v63  }
0x12a: {  	v2 =	vld.msk @!p0 [tilespmem:s9+$0x30], $0xff;
	_ =	sdelay $0x4  }
0x12b: {  	v3 =	vshll.u32 @!p0 v2, $0x3  }
0x12c: {  	v4 =	vlaneseq.u32 @!p0;
	v2 =	vand.u32 @!p0 $0x7, v2;
	v3 =	vand.u32 @!p0 $0xFFFFFFC0, v3  }
0x12d: {  	v2 =	vor.u32 @!p0 v2, v3;
	v3 =	vand.u32 @!p0 $0x7, v4;
	v4 =	vshrl.u32 @!p0 v4, $0x3  }
0x12e: {  	v2 =	vperm.xlane @!p0 v2, v3;
	v3 =	vmul.u32 @!p0 $0x8, v4;
	_ =	sdelay $0x1  }
0x12f: {  	v2 =	vadd.s32 @!p0 v3, v2;
	_ =	sdelay $0x3  }
0x130: {  	s5 =	simm.s32 @!p0 $0xC200  }
0x131: {  	[tilespmem:s5], [sflag:$0x7] =	stream.indirect_vreg.gather @!p0 [hbm4b:s3+s10], $0x80, v2, vm1, $0xb8;
	[tilespmem:$0x16200] =	vst v63  }
0x132: {  	s5 =	simm.s32 @!p0 $0xCA00  }
0x133: {  	[tilespmem:s5], [sflag:$0x7] =	stream.indirect_vreg.gather @!p0 [hbm4b:s11+s10], $0x80, v2, vm1, $0xb8;
	[tilespmem:$0x16200] =	vst v63  }
0x134: {  	s5 =	simm.s32 @!p0 $0xD200  }
0x135: {  	[tilespmem:s5], [sflag:$0x7] =	stream.indirect_vreg.gather @!p0 [hbm4b:s12+s10], $0x80, v2, vm1, $0xb8;
	[tilespmem:$0x16200] =	vst v63  }
0x136: {  	s5 =	simm.s32 @!p0 $0xDA00  }
0x137: {  	[tilespmem:s5], [sflag:$0x7] =	stream.indirect_vreg.gather @!p0 [hbm4b:s13+s10], $0x80, v2, vm1, $0xb8;
	[tilespmem:$0x16200] =	vst v63  }
0x138: {  	_ =	swait.ge [sflag:s2], $0x2000  }
0x139: {  	[sflag:s2] =	ssyncset.done $0x0  }
0x13a: {  	[sflag:s2] =	ssyncadd.s32 $0xFFFFE000  }
0x13b: {  	_ =	swait.ge [sflag:s19], $0x2000  }
0x13c: {  	s17 =	sor.u32 $0x180, s8;
	s8 =	simm.s32 $0x0;
	[sflag:s19] =	ssyncset.done $0x0  }
0x13d: {  	s14 =	simm.s32 $0xE240;
	s10 =	simm.s32 $0x6240;
	v2 =	vmov s17;
	[sflag:s19] =	ssyncadd.s32 $0xFFFFE000  }
.LBB2_15:
0x13e: {  	v3 =	vld [tilespmem:s10+$0xFFFFFFC0]  }
0x13f: {  	v4 =	vld [tilespmem:s14+$0xFFFFFFC0]  }
0x140: {  	v5 =	vld [tilespmem:s10+$0xFFFFFFD0]  }
0x141: {  	v6 =	vld [tilespmem:s14+$0xFFFFFFD0]  }
0x142: {  	v7 =	vld [tilespmem:s10+$0xFFFFFFE0]  }
0x143: {  	v8 =	vld [tilespmem:s14+$0xFFFFFFE0]  }
0x144: {  	v10 =	vld [tilespmem:s10+$0xFFFFFFF0];
	v9 =	vmul.f32 v3, v3  }
0x145: {  	v11 =	vimm.f32 $0.0e+00;
	v12 =	vld [tilespmem:s14+$0xFFFFFFF0];
	v3 =	vmul.f32 v4, v3;
	v4 =	vmul.f32 v4, v4  }
0x146: {  	v14 =	vld [tilespmem:s10+$0x0];
	v13 =	vmul.f32 v5, v5;
	v5 =	vmul.f32 v6, v5;
	v9 =	vadd.f32 v9, v11  }
0x147: {  	v16 =	vld [tilespmem:s14+$0x0];
	v6 =	vmul.f32 v6, v6;
	v15 =	vadd.f32 v3, v11;
	v4 =	vadd.f32 v4, v11  }
0x148: {  	v11 =	vmul.f32 v7, v7;
	v7 =	vmul.f32 v8, v7;
	v3 =	vld [tilespmem:s10+$0x10];
	v9 =	vadd.f32 v13, v9  }
0x149: {  	v8 =	vmul.f32 v8, v8;
	v13 =	vadd.f32 v5, v15;
	v6 =	vadd.f32 v6, v4;
	v4 =	vld [tilespmem:s14+$0x10]  }
0x14a: {  	v15 =	vmul.f32 v12, v10;
	v5 =	vld [tilespmem:s10+$0x20];
	v9 =	vadd.f32 v11, v9;
	v11 =	vmul.f32 v10, v10  }
0x14b: {  	v12 =	vmul.f32 v12, v12;
	v17 =	vadd.f32 v7, v13;
	v8 =	vadd.f32 v8, v6;
	v6 =	vld [tilespmem:s14+$0x20]  }
0x14c: {  	v13 =	vmul.f32 v14, v14;
	v7 =	vld [tilespmem:s10+$0x30];
	v10 =	vadd.f32 v11, v9;
	v9 =	vmul.f32 v16, v14  }
0x14d: {  	s15 =	simm.s32 $0x0;
	s16 =	sadd.s32 $0x400, s10;
	s5 =	smov.u32 s14;
	v11 =	vadd.f32 v15, v17;
	v12 =	vadd.f32 v12, v8;
	v14 =	vmul.f32 v16, v16;
	v8 =	vld [tilespmem:s14+$0x30]  }
.LBB2_16:
0x14e: {  	v15 =	vld [tilespmem:s16+$0xFFFFFFC0];
	v10 =	vadd.f32 v13, v10;
	v13 =	vmul.f32 v3, v3;
	v3 =	vmul.f32 v4, v3;
	s5 =	sadd.s32 $0x400, s5  }
0x14f: {  	v4 =	vmul.f32 v4, v4;
	v16 =	vld [tilespmem:s5+$0xFFFFFFC0];
	v9 =	vadd.f32 v9, v11;
	v11 =	vadd.f32 v14, v12  }
0x150: {  	s15 =	sadd.s32 $0x8, s15;
	v12 =	vld [tilespmem:s16+$0xFFFFFFD0];
	v10 =	vadd.f32 v13, v10;
	v13 =	vmul.f32 v5, v5;
	v5 =	vmul.f32 v6, v5  }
0x151: {  	p1 =	slt.u32 s15, $0x38;
	v6 =	vmul.f32 v6, v6;
	v14 =	vld [tilespmem:s5+$0xFFFFFFD0];
	v3 =	vadd.f32 v3, v9;
	v4 =	vadd.f32 v4, v11  }
0x152: {  	v11 =	vmul.f32 v7, v7;
	v9 =	vld [tilespmem:s16+$0xFFFFFFE0];
	v10 =	vadd.f32 v13, v10;
	v7 =	vmul.f32 v8, v7  }
0x153: {  	v13 =	vld [tilespmem:s5+$0xFFFFFFE0];
	v3 =	vadd.f32 v5, v3;
	v4 =	vadd.f32 v6, v4;
	v5 =	vmul.f32 v8, v8  }
0x154: {  	v6 =	vmul.f32 v15, v15;
	v8 =	vmul.f32 v16, v15;
	v15 =	vld [tilespmem:s16+$0xFFFFFFF0];
	v10 =	vadd.f32 v11, v10  }
0x155: {  	v11 =	vmul.f32 v16, v16;
	v16 =	vld [tilespmem:s5+$0xFFFFFFF0];
	v3 =	vadd.f32 v7, v3;
	v4 =	vadd.f32 v5, v4  }
0x156: {  	v5 =	vadd.f32 v6, v10;
	v6 =	vmul.f32 v12, v12;
	v7 =	vmul.f32 v14, v12;
	v12 =	vld [tilespmem:s16+$0x0]  }
0x157: {  	v10 =	vmul.f32 v14, v14;
	v8 =	vadd.f32 v8, v3;
	v4 =	vadd.f32 v11, v4;
	v14 =	vld [tilespmem:s5+$0x0]  }
0x158: {  	v5 =	vadd.f32 v6, v5;
	v6 =	vmul.f32 v9, v9;
	v9 =	vmul.f32 v13, v9;
	v3 =	vld [tilespmem:s16+$0x10]  }
.Ltmp8:
0x159: {  	v7 =	vadd.f32 v7, v8;
	v8 =	vadd.f32 v10, v4;
	v10 =	vmul.f32 v13, v13;
	v4 =	vld [tilespmem:s5+$0x10];
	(pc) =	sbr.rel @p1 .LBB2_16-.Ltmp8, $4  }
0x15a: {  	v13 =	vmul.f32 v15, v15;
	v11 =	vadd.f32 v6, v5;
	v15 =	vmul.f32 v16, v15;
	v5 =	vld [tilespmem:s16+$0x20]  }
0x15b: {  	v16 =	vmul.f32 v16, v16;
	v17 =	vadd.f32 v9, v7;
	v8 =	vadd.f32 v10, v8;
	v6 =	vld [tilespmem:s5+$0x20]  }
0x15c: {  	v10 =	vadd.f32 v13, v11;
	v13 =	vmul.f32 v12, v12;
	v9 =	vmul.f32 v14, v12;
	v7 =	vld [tilespmem:s16+$0x30]  }
0x15d: {  	v14 =	vmul.f32 v14, v14;
	s16 =	sadd.s32 $0x400, s16;
	v11 =	vadd.f32 v15, v17;
	v12 =	vadd.f32 v16, v8;
	v8 =	vld [tilespmem:s5+$0x30]  }
0x15e: {  	v10 =	vadd.f32 v13, v10;
	v53 =	vmul.f32 v3, v3  }
0x15f: {  	v3 =	vmul.f32 v4, v3;
	v55 =	vmul.f32 v4, v4;
	v9 =	vadd.f32 v9, v11  }
0x160: {  	v54 =	vadd.f32 v14, v12;
	v56 =	vmul.f32 v5, v5;
	v10 =	vadd.f32 v53, v10  }
0x161: {  	v57 =	vmul.f32 v6, v5;
	v58 =	vmul.f32 v6, v6;
	v3 =	vadd.f32 v3, v9  }
0x162: {  	s5 =	sshll.u32 s8, $0x4;
	s8 =	sadd.s32 $0x1, s8;
	v4 =	vadd.f32 v55, v54;
	v60 =	vmul.f32 v7, v7;
	v59 =	vadd.f32 v56, v10  }
0x163: {  	p1 =	sne.s32 s8, $0x8;
	v61 =	vmul.f32 v8, v7;
	v3 =	vadd.f32 v57, v3  }
.Ltmp9:
0x164: {  	v62 =	vmul.f32 v8, v8;
	v4 =	vadd.f32 v58, v4;
	v63 =	vadd.f32 v60, v59;
	(pc) =	sbr.rel @p1 .LBB2_15-.Ltmp9, $4  }
0x165: {  	v3 =	vadd.f32 v61, v3  }
0x166: {  	v4 =	vadd.f32 v62, v4;
	[tilespmem:v2+s5+$0x10200 ss:$0x1] =	vst.idx.msk $0xffff, v63  }
0x167: {  	[tilespmem:v2+s5+$0x12200 ss:$0x1] =	vst.idx.msk $0xffff, v3  }
0x168: {  	s10 =	sadd.s32 $0x80, s10;
	s14 =	sadd.s32 $0x80, s14;
	[tilespmem:v2+s5+$0x14200 ss:$0x1] =	vst.idx.msk $0xffff, v4  }
.Ltmp10:
0x169: {  	(pc) =	sbr.rel @p0 .LBB2_20-.Ltmp10, $1  }
0x16a: {  	_ =	sdelay $0x3  }
0x16b: {  	s5 =	sadd.s32 $0x38, s9  }
0x16c: {  	s5 =	sadd.s32 s6, s5  }
0x16d: {  	s5 =	sshll.u32 s5, $0x7  }
0x16e: {  	s5 =	sadd.s32 s1, s5  }
0x16f: {  	[tilespmem:s22], [sflag:$0x4] =	stream.linear.gather [hbm4b:s5+s4], $0x2000, $0x38;
	[tilespmem:$0x16200] =	vst v63  }
0x170: {  	v2 =	vld.msk [tilespmem:s9+$0x38], $0xff;
	_ =	sdelay $0x4  }
0x171: {  	v3 =	vshll.u32 v2, $0x3  }
0x172: {  	v2 =	vand.u32 $0x7, v2;
	v3 =	vand.u32 $0xFFFFFFC0, v3  }
0x173: {  	v2 =	vor.u32 v2, v3  }
0x174: {  	v2 =	vperm.xlane v2, v0;
	_ =	sdelay $0x1  }
0x175: {  	v2 =	vadd.s32 v1, v2;
	_ =	sdelay $0x4  }
0x176: {  	[tilespmem:s21], [sflag:$0x8] =	stream.indirect_vreg.gather [hbm4b:s3+s4], $0x80, v2, vm0, $0xb8;
	[tilespmem:$0x16200] =	vst v63  }
0x177: {  	_ = 	snop  }
0x178: {  	[tilespmem:s23], [sflag:$0x8] =	stream.indirect_vreg.gather [hbm4b:s11+s4], $0x80, v2, vm0, $0xb8;
	[tilespmem:$0x16200] =	vst v63  }
.Ltmp11:
0x179: {  	_ = 	snop;
	(pc) =	sbr.rel .LBB2_2-.Ltmp11, $4  }
0x17a: {  	_ = 	snop  }
0x17b: {  	[tilespmem:s24], [sflag:$0x8] =	stream.indirect_vreg.gather [hbm4b:s12+s4], $0x80, v2, vm0, $0xb8;
	[tilespmem:$0x16200] =	vst v63  }
0x17c: {  	s7 =	sadd.s32 $0x1, s7  }
0x17d: {  	[tilespmem:s25], [sflag:$0x8] =	stream.indirect_vreg.gather [hbm4b:s13+s4], $0x80, v2, vm0, $0xb8;
	[tilespmem:$0x16200] =	vst v63  }
.LBB2_21:
0x17e: {  	_ =	sfence.sel $0x180000  }
0x17f: {  	[bflag:$0x0] =	sbarrier.arrive $0xFFFF  }
0x180: {  	_ =	strace $0x90000047  }
0x181: {  	s0 =	stileid.u32;
	[bflag:$0x2] =	sbarrier.arrive $0xFFFF  }
0x182: {  	p0 =	sne.s32 s0, $0x0;
	s0 =	rddreg [dreg:$0x4]  }
0x183: {  	s0 =	sadd.s32 @!p0 $0x100000, s0  }
0x184: {  	[sflag:s0] =	ssyncadd.tile.s32 @!p0 $0x1;
	_ =	shalt  }
.Lfunc_end2:
_tile_overlayer_lowered:
.L_overlay_start_2:
0x185: {  	(tag) =	ssettag $0x2  }
0x186: {  	s0 =	rddreg [dreg:$0x0];
	s2 =	stileid.u32  }
0x187: {  	s1 =	rddreg [dreg:$0x1];
	p0 =	sne.s32 s2, $0x0  }
0x188: {  	s3 =	rddreg [dreg:$0x2];
	[bflag:$0x3] =	sbarrier.arrive $0xFFFF;
	s2 =	simm.s32 @!p0 $0x1C09  }
0x189: {  	[timem:s3], [sflag:s2] =	dma.local @!p0 [hbm:s0], s1  }
0x18a: {  	s0 =	simm.s32 @!p0 $0x9  }
0x18b: {  	_ =	swait.ge @!p0 [sflag:s0], s1  }
0x18c: {  	s1 =	ssub.s32 @!p0 $0x0, s1;
	[sflag:s0] =	ssyncset.done @!p0 $0x0  }
0x18d: {  	[sflag:s0] =	ssyncadd.s32 @!p0 s1  }
0x18e: {  	[bflag:$0x3] =	sbarrier.arrive $0xFFFF  }
0x18f: {  	_ =	shalt  }

</sc_bundles>
